<compile_context>
chip_gen: v7x
topology: tpu7x:2x2x1
jax: 0.10.2.dev20260603
libtpu: 0.0.44.dev20260713+nightly
codegen_flags: <defaults>
</compile_context>

<pallas_src>
import functools

import jax
import jax.numpy as jnp
from jax import lax
from jax.experimental import pallas as pl
from jax.experimental.pallas import tpu as pltpu
from jax.experimental.pallas import tpu_sc as plsc

DIMS = 64
GW = 128


def _sc_gather_body(E_hbm, Q_hbm, U_hbm, seq_hbm, pred_hbm, uid_hbm,
                    ie_hbm, w2_hbm, ue_hbm):
    n = seq_hbm.shape[1]

    def body(seq_v, pred_v, ie_v, w2_v):
        pltpu.sync_copy(E_hbm.at[seq_v.at[0]], ie_v)
        pltpu.sync_copy(Q_hbm.at[pred_v.at[0]], w2_v)

    pltpu.emit_pipeline(
        body,
        grid=(n // GW,),
        in_specs=[pl.BlockSpec((1, GW), lambda i: (0, i)),
                  pl.BlockSpec((1, GW), lambda i: (0, i))],
        out_specs=[pl.BlockSpec((GW, DIMS), lambda i: (i, 0)),
                   pl.BlockSpec((GW, DIMS), lambda i: (i, 0))],
        core_axis_name=("c", "s"),
        dimension_semantics=(pltpu.PARALLEL,),
    )(seq_hbm, pred_hbm, ie_hbm, w2_hbm)

    nb = uid_hbm.shape[1]

    def ubody(uid_v, ue_v):
        pltpu.sync_copy(U_hbm.at[uid_v.at[0]], ue_v)

    pltpu.emit_pipeline(
        ubody,
        grid=(nb // GW,),
        in_specs=[pl.BlockSpec((1, GW), lambda i: (0, i))],
        out_specs=[pl.BlockSpec((GW, DIMS), lambda i: (i, 0))],
        core_axis_name=("c", "s"),
        dimension_semantics=(pltpu.PARALLEL,),
    )(uid_hbm, ue_hbm)


def _sc_gather(E, Q, U, seq_t, pred, uid):
    n = seq_t.shape[1]
    nb = uid.shape[1]
    mesh = plsc.VectorSubcoreMesh(core_axis_name="c", subcore_axis_name="s")
    k = pl.kernel(
        _sc_gather_body,
        out_type=[
            jax.ShapeDtypeStruct((n, DIMS), jnp.float32),
            jax.ShapeDtypeStruct((n, DIMS), jnp.float32),
            jax.ShapeDtypeStruct((nb, DIMS), jnp.float32),
        ],
        mesh=mesh,
        compiler_params=pltpu.CompilerParams(use_tc_tiling_on_sc=False),
    )
    return k(E, Q, U, seq_t, pred, uid)


def _sc_qb_body(n_workers, Qb_hbm, pred_hbm, b2_hbm, qb_v, idx_v, out_v):
    wid = lax.axis_index("s") * 2 + lax.axis_index("c")
    per = pred_hbm.shape[1] // n_workers
    base = wid * per
    pltpu.sync_copy(Qb_hbm, qb_v)
    pltpu.sync_copy(pred_hbm.at[0, pl.ds(base, per)], idx_v)

    @pl.loop(0, per, step=16)
    def _(j):
        out_v[pl.ds(j, 16)] = plsc.load_gather(qb_v, [idx_v[pl.ds(j, 16)]])

    pltpu.sync_copy(out_v, b2_hbm.at[pl.ds(base, per)])


def _sc_qb_gather(Qb_flat, pred):
    n = pred.shape[1]
    nv = Qb_flat.shape[0]
    mesh = plsc.VectorSubcoreMesh(core_axis_name="c", subcore_axis_name="s")
    nw = 32
    k = pl.kernel(
        functools.partial(_sc_qb_body, nw),
        out_type=jax.ShapeDtypeStruct((n,), jnp.float32),
        mesh=mesh,
        scratch_types=[
            pltpu.VMEM((nv,), jnp.float32),
            pltpu.VMEM((n // nw,), jnp.int32),
            pltpu.VMEM((n // nw,), jnp.float32),
        ],
        compiler_params=pltpu.CompilerParams(use_tc_tiling_on_sc=False,
                                             needs_layout_passes=False),
    )
    return k(Qb_flat, pred)


def _tc_body(L, ie_ref, ue_ref, w2_ref, b2_ref, wfiT_ref, wfuT_ref, bias_ref,
             giT_ref, guT_ref, out_ref, ulin_s, accu_s, acci_s, accs_s):
    l = pl.program_id(1)
    ie = ie_ref[0]
    ue = ue_ref[...]

    @pl.when(l == 0)
    def _():
        ulin_s[...] = (jnp.dot(ue, wfuT_ref[...],
                               preferred_element_type=jnp.float32)
                       + bias_ref[...])

    gin = jnp.dot(ie, wfiT_ref[...], preferred_element_type=jnp.float32)
    gate = jax.nn.sigmoid(gin + ulin_s[...])
    gated = ie * gate
    s1 = jnp.sum(gated * giT_ref[...], axis=1, keepdims=True)
    s2 = jnp.sum(ue * guT_ref[0], axis=1, keepdims=True)
    score = jax.nn.sigmoid(s1 + s2)
    u_c = gated * score

    @pl.when(l == 0)
    def _():
        accu_s[...] = u_c
        acci_s[...] = ie
        accs_s[...] = score

    @pl.when(l > 0)
    def _():
        accu_s[...] += u_c
        acci_s[...] += ie
        accs_s[...] += score

    @pl.when(l == L - 1)
    def _():
        v = ue + accu_s[...] / accs_s[...] + acci_s[...]
        res = b2_ref[...] + jnp.sum(w2_ref[...] * v[:, None, :], axis=2)
        out_ref[...] = res


def _tc_compute(ie_t, ue, w2, b2, wfiT, wfuT, bias, giT, guT3, Bb=512):
    Lk, B, D = ie_t.shape
    T = w2.shape[1]
    grid = (B // Bb, Lk)
    return pl.pallas_call(
        functools.partial(_tc_body, Lk),
        grid=grid,
        in_specs=[
            pl.BlockSpec((1, Bb, D), lambda i, l: (l, i, 0)),
            pl.BlockSpec((Bb, D), lambda i, l: (i, 0)),
            pl.BlockSpec((Bb, T, D), lambda i, l: (i, 0, 0)),
            pl.BlockSpec((Bb, T), lambda i, l: (i, 0)),
            pl.BlockSpec((D, D), lambda i, l: (0, 0)),
            pl.BlockSpec((D, D), lambda i, l: (0, 0)),
            pl.BlockSpec((1, D), lambda i, l: (0, 0)),
            pl.BlockSpec((1, D), lambda i, l: (0, 0)),
            pl.BlockSpec((1, 1, D), lambda i, l: (l, 0, 0)),
        ],
        out_specs=pl.BlockSpec((Bb, T), lambda i, l: (i, 0)),
        out_shape=jax.ShapeDtypeStruct((B, T), jnp.float32),
        scratch_shapes=[
            pltpu.VMEM((Bb, D), jnp.float32),
            pltpu.VMEM((Bb, D), jnp.float32),
            pltpu.VMEM((Bb, D), jnp.float32),
            pltpu.VMEM((Bb, 1), jnp.float32),
        ],
    )(ie_t, ue, w2, b2, wfiT, wfuT, bias, giT, guT3)


def kernel(item_seq, user_ids, items_to_predict, U, E, Q, Qb, W_fi, b_fi,
           W_fu, b_fu, gate_item, gate_user):
    B, L = item_seq.shape
    T = items_to_predict.shape[1]
    seq_t = jnp.transpose(item_seq).astype(jnp.int32).reshape(1, L * B)
    pred = items_to_predict.astype(jnp.int32).reshape(1, B * T)
    uid = user_ids.astype(jnp.int32).reshape(1, B)

    ie_flat, w2_flat, ue = _sc_gather(E, Q, U, seq_t, pred, uid)
    b2_flat = _sc_qb_gather(Qb.reshape(-1), pred)

    ie_t = ie_flat.reshape(L, B, DIMS)
    w2 = w2_flat.reshape(B, T, DIMS)
    b2 = b2_flat.reshape(B, T)
    bias = (b_fi + b_fu).reshape(1, DIMS)
    giT = gate_item.T
    guT3 = gate_user.T.reshape(L, 1, DIMS)
    return _tc_compute(ie_t, ue, w2, b2, jnp.transpose(W_fi),
                       jnp.transpose(W_fu), bias, giT, guT3)

# --- scband reference (transcript-rebuilt; emitter-appended) ---
"""Pipeline reference for scband-hgn-81578608820747 (READ-ONLY COPY).

The authoritative reference and input builder live on the scoring server;
editing this copy changes nothing except your own understanding.
"""

import jax, jax.numpy as jnp
import numpy as np

NUM_USERS = 100000
NUM_ITEMS = 100000
DIMS = 64
L = 50
B = 4096
T = 50

def setup_inputs(seed: int = 0) -> dict:
    key = jax.random.key(seed)
    ks = jax.random.split(key, 12)
    item_seq = jax.random.randint(ks[0], (B, L), 0, NUM_ITEMS, dtype=jnp.int64)
    user_ids = jax.random.randint(ks[1], (B,), 0, NUM_USERS, dtype=jnp.int64)
    items_to_predict = jax.random.randint(ks[2], (B, T), 0, NUM_ITEMS, dtype=jnp.int64)
    U = jax.random.normal(ks[3], (NUM_USERS, DIMS), dtype=jnp.float32) * 0.02
    E = jax.random.normal(ks[4], (NUM_ITEMS, DIMS), dtype=jnp.float32) * 0.02
    E = E.at[0].set(0.0)  # padding_idx=0
    Q = jax.random.normal(ks[5], (NUM_ITEMS, DIMS), dtype=jnp.float32) * (1.0 / DIMS)
    Q = Q.at[0].set(0.0)  # padding_idx=0
    Qb = jax.random.normal(ks[6], (NUM_ITEMS, 1), dtype=jnp.float32) * 0.02
    Qb = Qb.at[0].set(0.0)  # padding_idx=0
    W_fi = jax.random.normal(ks[7], (DIMS, DIMS), dtype=jnp.float32) * (1.0 / np.sqrt(DIMS))
    b_fi = jnp.zeros((DIMS,), dtype=jnp.float32)
    W_fu = jax.random.normal(ks[8], (DIMS, DIMS), dtype=jnp.float32) * (1.0 / np.sqrt(DIMS))
    b_fu = jnp.zeros((DIMS,), dtype=jnp.float32)
    # xavier_uniform for instance gates
    lim1 = float(np.sqrt(6.0 / (DIMS + 1)))
    gate_item = jax.random.uniform(ks[9], (DIMS, 1), dtype=jnp.float32, minval=-lim1, maxval=lim1)
    lim2 = float(np.sqrt(6.0 / (DIMS + L)))
    gate_user = jax.random.uniform(ks[10], (DIMS, L), dtype=jnp.float32, minval=-lim2, maxval=lim2)
    return {"item_seq": item_seq, "user_ids": user_ids, "items_to_predict": items_to_predict,
            "U": U, "E": E, "Q": Q, "Qb": Qb, "W_fi": W_fi, "b_fi": b_fi,
            "W_fu": W_fu, "b_fu": b_fu, "gate_item": gate_item, "gate_user": gate_user}

def reference(item_seq, user_ids, items_to_predict, U, E, Q, Qb, W_fi, b_fi, W_fu, b_fu, gate_item, gate_user):
    item_embs = jnp.take(E, item_seq, axis=0)            # [B, L, d]
    user_emb = jnp.take(U, user_ids, axis=0)             # [B, d]
    # feature gating
    gate = jax.nn.sigmoid(item_embs @ W_fi.T + b_fi + (user_emb @ W_fu.T + b_fu)[:, None, :])
    gated_item = item_embs * gate                         # [B, L, d]
    # instance gating
    instance_score = jax.nn.sigmoid(jnp.squeeze(gated_item @ gate_item[None, :, :], -1) + user_emb @ gate_user)  # [B, L]
    union_out = gated_item * instance_score[:, :, None]
    union_out = jnp.sum(union_out, axis=1)
    union_out = union_out / jnp.sum(instance_score, axis=1, keepdims=True)  # [B, d]
    w2 = jnp.take(Q, items_to_predict, axis=0)            # [B, T, d]
    b2 = jnp.take(Qb, items_to_predict, axis=0)           # [B, T, 1]
    # MF score
    res = jnp.squeeze(b2 + w2 @ user_emb[:, :, None], -1)  # [B, T]
    # union-level
    res = res + jnp.squeeze(union_out[:, None, :] @ jnp.transpose(w2, (0, 2, 1)), 1)  # [B, T]
    # item-item relevance
    rel_score = item_embs @ jnp.transpose(w2, (0, 2, 1))  # [B, L, T]
    res = res + jnp.sum(rel_score, axis=1)
    return res

if __name__ == "__main__":
    import jax
    _d = setup_inputs()
    print(jax.jit(kernel)(*tuple(_d.values())))

</pallas_src>

<mosaic_0001>
#map = affine_map<(d0, d1) -> (0)>
#map1 = affine_map<(d0, d1) -> (0, 0)>
module attributes {stable_mosaic.version = 14 : i64} {
  func.func @_sc_qb_body(%arg0: i32, %arg1: i32, %arg2: memref<100000xf32, #tpu.memory_space<hbm>>, %arg3: memref<1x204800xi32, #tpu.memory_space<hbm>>, %arg4: memref<204800xf32, #tpu.memory_space<hbm>>, %arg5: memref<100000xf32, #tpu.memory_space<vmem>>, %arg6: memref<6400xi32, #tpu.memory_space<vmem>>, %arg7: memref<6400xf32, #tpu.memory_space<vmem>>) attributes {dimension_semantics = [#tpu.dimension_semantics<core_parallel>, #tpu.dimension_semantics<subcore_parallel>], iteration_bounds = array<i64: 2, 16>, scalar_prefetch = 0 : i64, scratch_operands = 3 : i64, tpu.core_type = #tpu.core_type<sc_vector_subcore>, window_params = [{transform_indices = #map}, {transform_indices = #map1}, {transform_indices = #map}]} {
    %mul3A = arith.constant 2 : i32
    %mul3A_0 = arith.muli %arg1, %mul3A : i32
    %add3A = arith.addi %mul3A_0, %arg0 : i32
    %mul3A_1 = arith.constant 6400 : i32
    %mul3A_2 = arith.muli %add3A, %mul3A_1 : i32
    "tpu.region"() ({
      %run_scoped3A_7 = tpu.sem_alloc : memref<!tpu.dma_semaphore, #tpu.memory_space<semaphore_mem>>
      tpu.enqueue_dma source(%arg2 : memref<100000xf32, #tpu.memory_space<hbm>>) target(%arg5 : memref<100000xf32, #tpu.memory_space<vmem>>) target_semaphore(%run_scoped3A_7 : memref<!tpu.dma_semaphore, #tpu.memory_space<semaphore_mem>>)
      tpu.wait_dma2 semaphore(%run_scoped3A_7 : memref<!tpu.dma_semaphore, #tpu.memory_space<semaphore_mem>>) src(%arg2 : memref<100000xf32, #tpu.memory_space<hbm>>) dst(%arg5 : memref<100000xf32, #tpu.memory_space<vmem>>)
      tpu.yield
    }) : () -> ()
    %run_scoped3A = arith.constant 0 : i32
    "tpu.region"() ({
      %run_scoped3A_7 = tpu.sem_alloc : memref<!tpu.dma_semaphore, #tpu.memory_space<semaphore_mem>>
      %dma_start3A = tpu.memref_slice %arg3[%run_scoped3A, %mul3A_2] : memref<1x204800xi32, #tpu.memory_space<hbm>> -> memref<1x6400xi32, #tpu.memory_space<hbm>>
      %dma_start3A_8 = tpu.memref_squeeze %dma_start3A : memref<1x6400xi32, #tpu.memory_space<hbm>> -> memref<6400xi32, #tpu.memory_space<hbm>>
      %dma_start3A_9 = tpu.memref_slice %arg3[%run_scoped3A, %mul3A_2] : memref<1x204800xi32, #tpu.memory_space<hbm>> -> memref<1x6400xi32, #tpu.memory_space<hbm>>
      %dma_start3A_10 = tpu.memref_squeeze %dma_start3A_9 : memref<1x6400xi32, #tpu.memory_space<hbm>> -> memref<6400xi32, #tpu.memory_space<hbm>>
      tpu.enqueue_dma source(%dma_start3A_10 : memref<6400xi32, #tpu.memory_space<hbm>>) target(%arg6 : memref<6400xi32, #tpu.memory_space<vmem>>) target_semaphore(%run_scoped3A_7 : memref<!tpu.dma_semaphore, #tpu.memory_space<semaphore_mem>>)
      %dma_wait3A = tpu.memref_slice %arg3[%run_scoped3A, %mul3A_2] : memref<1x204800xi32, #tpu.memory_space<hbm>> -> memref<1x6400xi32, #tpu.memory_space<hbm>>
      %dma_wait3A_11 = tpu.memref_squeeze %dma_wait3A : memref<1x6400xi32, #tpu.memory_space<hbm>> -> memref<6400xi32, #tpu.memory_space<hbm>>
      %dma_wait3A_12 = tpu.memref_slice %arg3[%run_scoped3A, %mul3A_2] : memref<1x204800xi32, #tpu.memory_space<hbm>> -> memref<1x6400xi32, #tpu.memory_space<hbm>>
      %dma_wait3A_13 = tpu.memref_squeeze %dma_wait3A_12 : memref<1x6400xi32, #tpu.memory_space<hbm>> -> memref<6400xi32, #tpu.memory_space<hbm>>
      tpu.wait_dma2 semaphore(%run_scoped3A_7 : memref<!tpu.dma_semaphore, #tpu.memory_space<semaphore_mem>>) src(%dma_wait3A_13 : memref<6400xi32, #tpu.memory_space<hbm>>) dst(%arg6 : memref<6400xi32, #tpu.memory_space<vmem>>)
      tpu.yield
    }) : () -> ()
    %scan3A = arith.constant 0 : i32
    %scan3A_3 = arith.constant 400 : i32
    %scan3A_4 = arith.addi %scan3A, %scan3A_3 : i32
    %scan3A_5 = arith.constant 1 : i32
    scf.for %scan3A_7 = %scan3A to %scan3A_4 step %scan3A_5  : i32 {
      %mul3A_8 = arith.constant 16 : i32
      %mul3A_9 = arith.muli %scan3A_7, %mul3A_8 : i32
      %add3A_10 = arith.constant 0 : i32
      %add3A_11 = arith.addi %add3A_10, %mul3A_9 : i32
      %get3A = arith.index_cast %add3A_11 : i32 to index
      %get3A_12 = tpu.vector_load %arg6[%get3A] {strides = array<i32>} : memref<6400xi32, #tpu.memory_space<vmem>>, vector<16xi32>,
      %gather3A = tpu.vector_load_idx %arg5[%get3A_12] : memref<100000xf32, #tpu.memory_space<vmem>>[vector<16xi32>], vector<16xf32>,
      %swap3A = arith.index_cast %add3A_11 : i32 to index
      %swap3A_13 = tpu.vector_load %arg7[%swap3A] {strides = array<i32>} : memref<6400xf32, #tpu.memory_space<vmem>>, vector<16xf32>,
      tpu.vector_store %arg7[%swap3A], %gather3A {strides = array<i32>} : memref<6400xf32, #tpu.memory_space<vmem>>, vector<16xf32>,
    }
    %scan3A_6 = arith.constant 400 : i32
    "tpu.region"() ({
      %run_scoped3A_7 = tpu.sem_alloc : memref<!tpu.dma_semaphore, #tpu.memory_space<semaphore_mem>>
      %dma_start3A = tpu.memref_slice %arg4[%mul3A_2] : memref<204800xf32, #tpu.memory_space<hbm>> -> memref<6400xf32, #tpu.memory_space<hbm>>
      %dma_start3A_8 = tpu.memref_slice %arg4[%mul3A_2] : memref<204800xf32, #tpu.memory_space<hbm>> -> memref<6400xf32, #tpu.memory_space<hbm>>
      tpu.enqueue_dma source(%arg7 : memref<6400xf32, #tpu.memory_space<vmem>>) target(%dma_start3A_8 : memref<6400xf32, #tpu.memory_space<hbm>>) target_semaphore(%run_scoped3A_7 : memref<!tpu.dma_semaphore, #tpu.memory_space<semaphore_mem>>)
      %dma_wait3A = tpu.memref_slice %arg4[%mul3A_2] : memref<204800xf32, #tpu.memory_space<hbm>> -> memref<6400xf32, #tpu.memory_space<hbm>>
      %dma_wait3A_9 = tpu.memref_slice %arg4[%mul3A_2] : memref<204800xf32, #tpu.memory_space<hbm>> -> memref<6400xf32, #tpu.memory_space<hbm>>
      tpu.wait_dma2 semaphore(%run_scoped3A_7 : memref<!tpu.dma_semaphore, #tpu.memory_space<semaphore_mem>>) src(%arg7 : memref<6400xf32, #tpu.memory_space<vmem>>) dst(%dma_wait3A_9 : memref<6400xf32, #tpu.memory_space<hbm>>)
      tpu.yield
    }) : () -> ()
    return
  }
}

#map = affine_map<(d0, d1) -> (0, 0)>
module attributes {stable_mosaic.version = 14 : i64} {
  func.func @_sc_gather_body(%arg0: i32, %arg1: i32, %arg2: memref<100000x64xf32, #tpu.memory_space<hbm>>, %arg3: memref<100000x64xf32, #tpu.memory_space<hbm>>, %arg4: memref<100000x64xf32, #tpu.memory_space<hbm>>, %arg5: memref<1x204800xi32, #tpu.memory_space<hbm>>, %arg6: memref<1x204800xi32, #tpu.memory_space<hbm>>, %arg7: memref<1x4096xi32, #tpu.memory_space<hbm>>, %arg8: memref<204800x64xf32, #tpu.memory_space<hbm>>, %arg9: memref<204800x64xf32, #tpu.memory_space<hbm>>, %arg10: memref<4096x64xf32, #tpu.memory_space<hbm>>) attributes {dimension_semantics = [#tpu.dimension_semantics<core_parallel>, #tpu.dimension_semantics<subcore_parallel>], iteration_bounds = array<i64: 2, 16>, scalar_prefetch = 0 : i64, scratch_operands = 0 : i64, tpu.core_type = #tpu.core_type<sc_vector_subcore>, window_params = [{transform_indices = #map}, {transform_indices = #map}, {transform_indices = #map}, {transform_indices = #map}, {transform_indices = #map}, {transform_indices = #map}, {transform_indices = #map}, {transform_indices = #map}, {transform_indices = #map}]} {
    %mul3A = arith.constant 1 : i32
    %mul3A_0 = arith.muli %arg1, %mul3A : i32
    %add3A = arith.constant 0 : i32
    %add3A_1 = arith.addi %add3A, %mul3A_0 : i32
    %mul3A_2 = arith.constant 16 : i32
    %mul3A_3 = arith.muli %arg0, %mul3A_2 : i32
    %add3A_4 = arith.addi %add3A_1, %mul3A_3 : i32
    %mul3A_5 = arith.constant 50 : i32
    %mul3A_6 = arith.muli %add3A_4, %mul3A_5 : i32
    "tpu.region"() ({
      %run_scoped3A = memref.alloca() : memref<2x1x128xi32, #tpu.memory_space<vmem>>
      %run_scoped3A_16 = tpu.sem_alloc : memref<2x!tpu.dma_semaphore, #tpu.memory_space<semaphore_mem>>
      %run_scoped3A_17 = memref.alloca() : memref<2x1x128xi32, #tpu.memory_space<vmem>>
      %run_scoped3A_18 = tpu.sem_alloc : memref<2x!tpu.dma_semaphore, #tpu.memory_space<semaphore_mem>>
      %run_scoped3A_19 = memref.alloca() : memref<2x128x64xf32, #tpu.memory_space<vmem>>
      %run_scoped3A_20 = tpu.sem_alloc : memref<2x!tpu.dma_semaphore, #tpu.memory_space<semaphore_mem>>
      %run_scoped3A_21 = memref.alloca() : memref<2x128x64xf32, #tpu.memory_space<vmem>>
      %run_scoped3A_22 = tpu.sem_alloc : memref<2x!tpu.dma_semaphore, #tpu.memory_space<semaphore_mem>>
      %add3A_23 = arith.constant 0 : i32
      %add3A_24 = arith.addi %add3A_23, %mul3A_6 : i32
      %select_n3A = arith.constant true
      %select_n3A_25 = arith.constant 0 : i32
      %select_n3A_26 = arith.constant -1 : i32
      %select_n3A_27 = arith.select %select_n3A, %select_n3A_26, %select_n3A_25 : i32
      %eq3A = arith.constant -1 : i32
      %eq3A_28 = arith.cmpi eq, %select_n3A_27, %eq3A : i32
      %select_n3A_29 = arith.constant 49 : i32
      %select_n3A_30 = arith.select %eq3A_28, %select_n3A_29, %select_n3A_27 : i32
      %add3A_31 = arith.addi %select_n3A_30, %mul3A_6 : i32
      %select_n3A_32 = arith.constant true
      %select_n3A_33 = arith.constant 0 : i32
      %select_n3A_34 = arith.constant 1 : i32
      %select_n3A_35 = arith.select %select_n3A_32, %select_n3A_34, %select_n3A_33 : i32
      %eq3A_36 = arith.constant 50 : i32
      %eq3A_37 = arith.cmpi eq, %select_n3A_35, %eq3A_36 : i32
      %select_n3A_38 = arith.constant 0 : i32
      %select_n3A_39 = arith.select %eq3A_37, %select_n3A_38, %select_n3A_35 : i32
      %add3A_40 = arith.addi %select_n3A_39, %mul3A_6 : i32
      %add3A_41 = arith.constant 1 : i32
      %add3A_42 = arith.addi %select_n3A_39, %add3A_41 : i32
      %select_n3A_43 = arith.constant true
      %select_n3A_44 = arith.select %select_n3A_43, %add3A_42, %select_n3A_39 : i32
      %eq3A_45 = arith.constant 50 : i32
      %eq3A_46 = arith.cmpi eq, %select_n3A_44, %eq3A_45 : i32
      %select_n3A_47 = arith.constant 0 : i32
      %select_n3A_48 = arith.select %eq3A_46, %select_n3A_47, %select_n3A_44 : i32
      %add3A_49 = arith.addi %select_n3A_48, %mul3A_6 : i32
      "tpu.trace_start"() <{level = 10 : i32, message = "ep_initialize_0"}> : () -> ()
      %rem3A = arith.constant 0 : i32
      %rem3A_50 = arith.constant 2 : i32
      %rem3A_51 = arith.remui %rem3A, %rem3A_50 : i32
      %mul3A_52 = arith.constant 128 : i32
      %mul3A_53 = arith.muli %mul3A_52, %add3A_24 : i32
      %dma_start3A = arith.constant 0 : i32
      %dma_start3A_54 = arith.constant 0 : i32
      %dma_start3A_55 = tpu.memref_slice %run_scoped3A[%rem3A_51, %dma_start3A, %dma_start3A_54] : memref<2x1x128xi32, #tpu.memory_space<vmem>> -> memref<1x1x128xi32, #tpu.memory_space<vmem>>
      %dma_start3A_56 = tpu.memref_squeeze %dma_start3A_55 : memref<1x1x128xi32, #tpu.memory_space<vmem>> -> memref<1x128xi32, #tpu.memory_space<vmem>>
      %dma_start3A_57 = arith.constant 0 : i32
      %dma_start3A_58 = tpu.memref_slice %arg5[%dma_start3A_57, %mul3A_53] : memref<1x204800xi32, #tpu.memory_space<hbm>> -> memref<1x128xi32, #tpu.memory_space<hbm>>
      %dma_start3A_59 = tpu.memref_slice %run_scoped3A_16[%rem3A_51] : memref<2x!tpu.dma_semaphore, #tpu.memory_space<semaphore_mem>> -> memref<1x!tpu.dma_semaphore, #tpu.memory_space<semaphore_mem>>
      %dma_start3A_60 = tpu.memref_squeeze %dma_start3A_59 : memref<1x!tpu.dma_semaphore, #tpu.memory_space<semaphore_mem>> -> memref<!tpu.dma_semaphore, #tpu.memory_space<semaphore_mem>>
      %dma_start3A_61 = arith.constant 0 : i32
      %dma_start3A_62 = arith.constant 0 : i32
      %dma_start3A_63 = tpu.memref_slice %run_scoped3A[%rem3A_51, %dma_start3A_61, %dma_start3A_62] : memref<2x1x128xi32, #tpu.memory_space<vmem>> -> memref<1x1x128xi32, #tpu.memory_space<vmem>>
      %dma_start3A_64 = tpu.memref_squeeze %dma_start3A_63 : memref<1x1x128xi32, #tpu.memory_space<vmem>> -> memref<1x128xi32, #tpu.memory_space<vmem>>
      %dma_start3A_65 = arith.constant 0 : i32
      %dma_start3A_66 = tpu.memref_slice %arg5[%dma_start3A_65, %mul3A_53] : memref<1x204800xi32, #tpu.memory_space<hbm>> -> memref<1x128xi32, #tpu.memory_space<hbm>>
      tpu.enqueue_dma source(%dma_start3A_66 : memref<1x128xi32, #tpu.memory_space<hbm>>) target(%dma_start3A_64 : memref<1x128xi32, #tpu.memory_space<vmem>>) target_semaphore(%dma_start3A_60 : memref<!tpu.dma_semaphore, #tpu.memory_space<semaphore_mem>>)
      %add3A_67 = arith.constant 0 : i32
      %add3A_68 = arith.constant 1 : i32
      %add3A_69 = arith.addi %add3A_67, %add3A_68 : i32
      %select_n3A_70 = arith.constant true
      %select_n3A_71 = arith.constant 0 : i32
      %select_n3A_72 = arith.select %select_n3A_70, %add3A_69, %select_n3A_71 : i32
      %rem3A_73 = arith.constant 0 : i32
      %rem3A_74 = arith.constant 2 : i32
      %rem3A_75 = arith.remui %rem3A_73, %rem3A_74 : i32
      %mul3A_76 = arith.constant 128 : i32
      %mul3A_77 = arith.muli %mul3A_76, %add3A_24 : i32
      %dma_start3A_78 = arith.constant 0 : i32
      %dma_start3A_79 = arith.constant 0 : i32
      %dma_start3A_80 = tpu.memref_slice %run_scoped3A_17[%rem3A_75, %dma_start3A_78, %dma_start3A_79] : memref<2x1x128xi32, #tpu.memory_space<vmem>> -> memref<1x1x128xi32, #tpu.memory_space<vmem>>
      %dma_start3A_81 = tpu.memref_squeeze %dma_start3A_80 : memref<1x1x128xi32, #tpu.memory_space<vmem>> -> memref<1x128xi32, #tpu.memory_space<vmem>>
      %dma_start3A_82 = arith.constant 0 : i32
      %dma_start3A_83 = tpu.memref_slice %arg6[%dma_start3A_82, %mul3A_77] : memref<1x204800xi32, #tpu.memory_space<hbm>> -> memref<1x128xi32, #tpu.memory_space<hbm>>
      %dma_start3A_84 = tpu.memref_slice %run_scoped3A_18[%rem3A_75] : memref<2x!tpu.dma_semaphore, #tpu.memory_space<semaphore_mem>> -> memref<1x!tpu.dma_semaphore, #tpu.memory_space<semaphore_mem>>
      %dma_start3A_85 = tpu.memref_squeeze %dma_start3A_84 : memref<1x!tpu.dma_semaphore, #tpu.memory_space<semaphore_mem>> -> memref<!tpu.dma_semaphore, #tpu.memory_space<semaphore_mem>>
      %dma_start3A_86 = arith.constant 0 : i32
      %dma_start3A_87 = arith.constant 0 : i32
      %dma_start3A_88 = tpu.memref_slice %run_scoped3A_17[%rem3A_75, %dma_start3A_86, %dma_start3A_87] : memref<2x1x128xi32, #tpu.memory_space<vmem>> -> memref<1x1x128xi32, #tpu.memory_space<vmem>>
      %dma_start3A_89 = tpu.memref_squeeze %dma_start3A_88 : memref<1x1x128xi32, #tpu.memory_space<vmem>> -> memref<1x128xi32, #tpu.memory_space<vmem>>
      %dma_start3A_90 = arith.constant 0 : i32
      %dma_start3A_91 = tpu.memref_slice %arg6[%dma_start3A_90, %mul3A_77] : memref<1x204800xi32, #tpu.memory_space<hbm>> -> memref<1x128xi32, #tpu.memory_space<hbm>>
      tpu.enqueue_dma source(%dma_start3A_91 : memref<1x128xi32, #tpu.memory_space<hbm>>) target(%dma_start3A_89 : memref<1x128xi32, #tpu.memory_space<vmem>>) target_semaphore(%dma_start3A_85 : memref<!tpu.dma_semaphore, #tpu.memory_space<semaphore_mem>>)
      %add3A_92 = arith.constant 0 : i32
      %add3A_93 = arith.constant 1 : i32
      %add3A_94 = arith.addi %add3A_92, %add3A_93 : i32
      %select_n3A_95 = arith.constant true
      %select_n3A_96 = arith.constant 0 : i32
      %select_n3A_97 = arith.select %select_n3A_95, %add3A_94, %select_n3A_96 : i32
      "tpu.trace_stop"() : () -> ()
      %scan3A = arith.constant 0 : i32
      %scan3A_98 = arith.constant 0 : i32
      %scan3A_99 = arith.constant 0 : i32
      %scan3A_100 = arith.constant 0 : i32
      %scan3A_101 = arith.constant 0 : i32
      %scan3A_102 = arith.constant 0 : i32
      %scan3A_103 = arith.constant 0 : i32
      %scan3A_104 = arith.constant 0 : i32
      %scan3A_105 = arith.constant 50 : i32
      %scan3A_106 = arith.addi %scan3A_104, %scan3A_105 : i32
      %scan3A_107 = arith.constant 1 : i32
      %scan3A_108:9 = scf.for %scan3A_180 = %scan3A_104 to %scan3A_106 step %scan3A_107 iter_args(%scan3A_181 = %select_n3A_72, %scan3A_182 = %scan3A, %scan3A_183 = %select_n3A_97, %scan3A_184 = %scan3A_98, %scan3A_185 = %scan3A_99, %scan3A_186 = %scan3A_100, %scan3A_187 = %scan3A_101, %scan3A_188 = %scan3A_102, %scan3A_189 = %scan3A_103) -> (i32, i32, i32, i32, i32, i32, i32, i32, i32)  : i32 {
        %eq3A_190 = arith.constant 0 : i32
        %eq3A_191 = arith.cmpi eq, %scan3A_180, %eq3A_190 : i32
        %eq3A_192 = arith.constant 49 : i32
        %eq3A_193 = arith.cmpi eq, %scan3A_180, %eq3A_192 : i32
        %add3A_194 = arith.addi %scan3A_189, %mul3A_6 : i32
        %sub3A_195 = arith.constant 1 : i32
        %sub3A_196 = arith.subi %scan3A_189, %sub3A_195 : i32
        %select_n3A_197 = arith.constant true
        %select_n3A_198 = arith.select %select_n3A_197, %sub3A_196, %scan3A_189 : i32
        %eq3A_199 = arith.constant -1 : i32
        %eq3A_200 = arith.cmpi eq, %select_n3A_198, %eq3A_199 : i32
        %select_n3A_201 = arith.constant 49 : i32
        %select_n3A_202 = arith.select %eq3A_200, %select_n3A_201, %select_n3A_198 : i32
        %add3A_203 = arith.addi %select_n3A_202, %mul3A_6 : i32
        %add3A_204 = arith.constant 1 : i32
        %add3A_205 = arith.addi %scan3A_189, %add3A_204 : i32
        %select_n3A_206 = arith.constant true
        %select_n3A_207 = arith.select %select_n3A_206, %add3A_205, %scan3A_189 : i32
        %eq3A_208 = arith.constant 50 : i32
        %eq3A_209 = arith.cmpi eq, %select_n3A_207, %eq3A_208 : i32
        %select_n3A_210 = arith.constant 0 : i32
        %select_n3A_211 = arith.select %eq3A_209, %select_n3A_210, %select_n3A_207 : i32
        %add3A_212 = arith.addi %select_n3A_211, %mul3A_6 : i32
        %add3A_213 = arith.constant 1 : i32
        %add3A_214 = arith.addi %select_n3A_211, %add3A_213 : i32
        %select_n3A_215 = arith.constant true
        %select_n3A_216 = arith.select %select_n3A_215, %add3A_214, %select_n3A_211 : i32
        %eq3A_217 = arith.constant 50 : i32
        %eq3A_218 = arith.cmpi eq, %select_n3A_216, %eq3A_217 : i32
        %select_n3A_219 = arith.constant 0 : i32
        %select_n3A_220 = arith.select %eq3A_218, %select_n3A_219, %select_n3A_216 : i32
        %add3A_221 = arith.addi %select_n3A_220, %mul3A_6 : i32
        %ne3A = arith.cmpi ne, %add3A_194, %add3A_212 : i32
        %or3A = arith.constant false
        %or3A_222 = arith.ori %or3A, %ne3A : i1
        %ge3A = arith.constant 49 : i32
        %ge3A_223 = arith.cmpi sge, %scan3A_180, %ge3A : i32
        %not3A = arith.constant true
        %not3A_224 = arith.xori %ge3A_223, %not3A : i1
        %and3A = arith.andi %or3A_222, %not3A_224 : i1
        %convert_element_type3A = arith.extui %and3A : i1 to i32
        %cond3A = arith.constant 0 : i32
        %cond3A_225 = arith.cmpi ne, %convert_element_type3A, %cond3A : i32
        scf.if %cond3A_225 {
          "tpu.trace_start"() <{level = 10 : i32, message = "ep_copy_in"}> : () -> ()
          %rem3A_431 = arith.constant 2 : i32
          %rem3A_432 = arith.remui %scan3A_181, %rem3A_431 : i32
          %mul3A_433 = arith.constant 128 : i32
          %mul3A_434 = arith.muli %mul3A_433, %add3A_212 : i32
          %dma_start3A_435 = arith.constant 0 : i32
          %dma_start3A_436 = arith.constant 0 : i32
          %dma_start3A_437 = tpu.memref_slice %run_scoped3A[%rem3A_432, %dma_start3A_435, %dma_start3A_436] : memref<2x1x128xi32, #tpu.memory_space<vmem>> -> memref<1x1x128xi32, #tpu.memory_space<vmem>>
          %dma_start3A_438 = tpu.memref_squeeze %dma_start3A_437 : memref<1x1x128xi32, #tpu.memory_space<vmem>> -> memref<1x128xi32, #tpu.memory_space<vmem>>
          %dma_start3A_439 = arith.constant 0 : i32
          %dma_start3A_440 = tpu.memref_slice %arg5[%dma_start3A_439, %mul3A_434] : memref<1x204800xi32, #tpu.memory_space<hbm>> -> memref<1x128xi32, #tpu.memory_space<hbm>>
          %dma_start3A_441 = tpu.memref_slice %run_scoped3A_16[%rem3A_432] : memref<2x!tpu.dma_semaphore, #tpu.memory_space<semaphore_mem>> -> memref<1x!tpu.dma_semaphore, #tpu.memory_space<semaphore_mem>>
          %dma_start3A_442 = tpu.memref_squeeze %dma_start3A_441 : memref<1x!tpu.dma_semaphore, #tpu.memory_space<semaphore_mem>> -> memref<!tpu.dma_semaphore, #tpu.memory_space<semaphore_mem>>
          %dma_start3A_443 = arith.constant 0 : i32
          %dma_start3A_444 = arith.constant 0 : i32
          %dma_start3A_445 = tpu.memref_slice %run_scoped3A[%rem3A_432, %dma_start3A_443, %dma_start3A_444] : memref<2x1x128xi32, #tpu.memory_space<vmem>> -> memref<1x1x128xi32, #tpu.memory_space<vmem>>
          %dma_start3A_446 = tpu.memref_squeeze %dma_start3A_445 : memref<1x1x128xi32, #tpu.memory_space<vmem>> -> memref<1x128xi32, #tpu.memory_space<vmem>>
          %dma_start3A_447 = arith.constant 0 : i32
          %dma_start3A_448 = tpu.memref_slice %arg5[%dma_start3A_447, %mul3A_434] : memref<1x204800xi32, #tpu.memory_space<hbm>> -> memref<1x128xi32, #tpu.memory_space<hbm>>
          tpu.enqueue_dma source(%dma_start3A_448 : memref<1x128xi32, #tpu.memory_space<hbm>>) target(%dma_start3A_446 : memref<1x128xi32, #tpu.memory_space<vmem>>) target_semaphore(%dma_start3A_442 : memref<!tpu.dma_semaphore, #tpu.memory_space<semaphore_mem>>)
          "tpu.trace_stop"() : () -> ()
        } else {
        }
        %and3A_226 = arith.constant true
        %and3A_227 = arith.andi %and3A, %and3A_226 : i1
        %add3A_228 = arith.constant 1 : i32
        %add3A_229 = arith.addi %scan3A_181, %add3A_228 : i32
        %select_n3A_230 = arith.select %and3A_227, %add3A_229, %scan3A_181 : i32
        %ne3A_231 = arith.cmpi ne, %add3A_194, %add3A_212 : i32
        %or3A_232 = arith.constant false
        %or3A_233 = arith.ori %or3A_232, %ne3A_231 : i1
        %ge3A_234 = arith.constant 49 : i32
        %ge3A_235 = arith.cmpi sge, %scan3A_180, %ge3A_234 : i32
        %not3A_236 = arith.constant true
        %not3A_237 = arith.xori %ge3A_235, %not3A_236 : i1
        %and3A_238 = arith.andi %or3A_233, %not3A_237 : i1
        %convert_element_type3A_239 = arith.extui %and3A_238 : i1 to i32
        %cond3A_240 = arith.constant 0 : i32
        %cond3A_241 = arith.cmpi ne, %convert_element_type3A_239, %cond3A_240 : i32
        scf.if %cond3A_241 {
          "tpu.trace_start"() <{level = 10 : i32, message = "ep_copy_in"}> : () -> ()
          %rem3A_431 = arith.constant 2 : i32
          %rem3A_432 = arith.remui %scan3A_183, %rem3A_431 : i32
          %mul3A_433 = arith.constant 128 : i32
          %mul3A_434 = arith.muli %mul3A_433, %add3A_212 : i32
          %dma_start3A_435 = arith.constant 0 : i32
          %dma_start3A_436 = arith.constant 0 : i32
          %dma_start3A_437 = tpu.memref_slice %run_scoped3A_17[%rem3A_432, %dma_start3A_435, %dma_start3A_436] : memref<2x1x128xi32, #tpu.memory_space<vmem>> -> memref<1x1x128xi32, #tpu.memory_space<vmem>>
          %dma_start3A_438 = tpu.memref_squeeze %dma_start3A_437 : memref<1x1x128xi32, #tpu.memory_space<vmem>> -> memref<1x128xi32, #tpu.memory_space<vmem>>
          %dma_start3A_439 = arith.constant 0 : i32
          %dma_start3A_440 = tpu.memref_slice %arg6[%dma_start3A_439, %mul3A_434] : memref<1x204800xi32, #tpu.memory_space<hbm>> -> memref<1x128xi32, #tpu.memory_space<hbm>>
          %dma_start3A_441 = tpu.memref_slice %run_scoped3A_18[%rem3A_432] : memref<2x!tpu.dma_semaphore, #tpu.memory_space<semaphore_mem>> -> memref<1x!tpu.dma_semaphore, #tpu.memory_space<semaphore_mem>>
          %dma_start3A_442 = tpu.memref_squeeze %dma_start3A_441 : memref<1x!tpu.dma_semaphore, #tpu.memory_space<semaphore_mem>> -> memref<!tpu.dma_semaphore, #tpu.memory_space<semaphore_mem>>
          %dma_start3A_443 = arith.constant 0 : i32
          %dma_start3A_444 = arith.constant 0 : i32
          %dma_start3A_445 = tpu.memref_slice %run_scoped3A_17[%rem3A_432, %dma_start3A_443, %dma_start3A_444] : memref<2x1x128xi32, #tpu.memory_space<vmem>> -> memref<1x1x128xi32, #tpu.memory_space<vmem>>
          %dma_start3A_446 = tpu.memref_squeeze %dma_start3A_445 : memref<1x1x128xi32, #tpu.memory_space<vmem>> -> memref<1x128xi32, #tpu.memory_space<vmem>>
          %dma_start3A_447 = arith.constant 0 : i32
          %dma_start3A_448 = tpu.memref_slice %arg6[%dma_start3A_447, %mul3A_434] : memref<1x204800xi32, #tpu.memory_space<hbm>> -> memref<1x128xi32, #tpu.memory_space<hbm>>
          tpu.enqueue_dma source(%dma_start3A_448 : memref<1x128xi32, #tpu.memory_space<hbm>>) target(%dma_start3A_446 : memref<1x128xi32, #tpu.memory_space<vmem>>) target_semaphore(%dma_start3A_442 : memref<!tpu.dma_semaphore, #tpu.memory_space<semaphore_mem>>)
          "tpu.trace_stop"() : () -> ()
        } else {
        }
        %and3A_242 = arith.constant true
        %and3A_243 = arith.andi %and3A_238, %and3A_242 : i1
        %add3A_244 = arith.constant 1 : i32
        %add3A_245 = arith.addi %scan3A_183, %add3A_244 : i32
        %select_n3A_246 = arith.select %and3A_243, %add3A_245, %scan3A_183 : i32
        %ne3A_247 = arith.cmpi ne, %add3A_194, %add3A_212 : i32
        %or3A_248 = arith.constant false
        %or3A_249 = arith.ori %or3A_248, %ne3A_247 : i1
        %or3A_250 = arith.constant false
        %or3A_251 = arith.ori %or3A_249, %or3A_250 : i1
        %ge3A_252 = arith.constant 49 : i32
        %ge3A_253 = arith.cmpi sge, %scan3A_180, %ge3A_252 : i32
        %not3A_254 = arith.constant true
        %not3A_255 = arith.xori %ge3A_253, %not3A_254 : i1
        %and3A_256 = arith.andi %or3A_251, %not3A_255 : i1
        %ne3A_257 = arith.cmpi ne, %add3A_194, %add3A_212 : i32
        %or3A_258 = arith.constant false
        %or3A_259 = arith.ori %or3A_258, %ne3A_257 : i1
        %or3A_260 = arith.constant false
        %or3A_261 = arith.ori %or3A_259, %or3A_260 : i1
        %ge3A_262 = arith.constant 49 : i32
        %ge3A_263 = arith.cmpi sge, %scan3A_180, %ge3A_262 : i32
        %not3A_264 = arith.constant true
        %not3A_265 = arith.xori %ge3A_263, %not3A_264 : i1
        %and3A_266 = arith.andi %or3A_261, %not3A_265 : i1
        %ne3A_267 = arith.cmpi ne, %add3A_194, %add3A_203 : i32
        %or3A_268 = arith.constant false
        %or3A_269 = arith.ori %or3A_268, %ne3A_267 : i1
        %or3A_270 = arith.ori %or3A_269, %eq3A_191 : i1
        %convert_element_type3A_271 = arith.extui %or3A_270 : i1 to i32
        %cond3A_272 = arith.constant 0 : i32
        %cond3A_273 = arith.cmpi ne, %convert_element_type3A_271, %cond3A_272 : i32
        scf.if %cond3A_273 {
          "tpu.trace_start"() <{level = 10 : i32, message = "ep_wait_in"}> : () -> ()
          %mul3A_431 = arith.constant 128 : i32
          %mul3A_432 = arith.muli %mul3A_431, %add3A_194 : i32
          %rem3A_433 = arith.constant 2 : i32
          %rem3A_434 = arith.remui %scan3A_182, %rem3A_433 : i32
          %dma_wait3A_435 = arith.constant 0 : i32
          %dma_wait3A_436 = arith.constant 0 : i32
          %dma_wait3A_437 = tpu.memref_slice %run_scoped3A[%rem3A_434, %dma_wait3A_435, %dma_wait3A_436] : memref<2x1x128xi32, #tpu.memory_space<vmem>> -> memref<1x1x128xi32, #tpu.memory_space<vmem>>
          %dma_wait3A_438 = tpu.memref_squeeze %dma_wait3A_437 : memref<1x1x128xi32, #tpu.memory_space<vmem>> -> memref<1x128xi32, #tpu.memory_space<vmem>>
          %dma_wait3A_439 = arith.constant 0 : i32
          %dma_wait3A_440 = tpu.memref_slice %arg5[%dma_wait3A_439, %mul3A_432] : memref<1x204800xi32, #tpu.memory_space<hbm>> -> memref<1x128xi32, #tpu.memory_space<hbm>>
          %dma_wait3A_441 = tpu.memref_slice %run_scoped3A_16[%rem3A_434] : memref<2x!tpu.dma_semaphore, #tpu.memory_space<semaphore_mem>> -> memref<1x!tpu.dma_semaphore, #tpu.memory_space<semaphore_mem>>
          %dma_wait3A_442 = tpu.memref_squeeze %dma_wait3A_441 : memref<1x!tpu.dma_semaphore, #tpu.memory_space<semaphore_mem>> -> memref<!tpu.dma_semaphore, #tpu.memory_space<semaphore_mem>>
          %dma_wait3A_443 = arith.constant 0 : i32
          %dma_wait3A_444 = arith.constant 0 : i32
          %dma_wait3A_445 = tpu.memref_slice %run_scoped3A[%rem3A_434, %dma_wait3A_443, %dma_wait3A_444] : memref<2x1x128xi32, #tpu.memory_space<vmem>> -> memref<1x1x128xi32, #tpu.memory_space<vmem>>
          %dma_wait3A_446 = tpu.memref_squeeze %dma_wait3A_445 : memref<1x1x128xi32, #tpu.memory_space<vmem>> -> memref<1x128xi32, #tpu.memory_space<vmem>>
          %dma_wait3A_447 = arith.constant 0 : i32
          %dma_wait3A_448 = tpu.memref_slice %arg5[%dma_wait3A_447, %mul3A_432] : memref<1x204800xi32, #tpu.memory_space<hbm>> -> memref<1x128xi32, #tpu.memory_space<hbm>>
          tpu.wait_dma2 semaphore(%dma_wait3A_442 : memref<!tpu.dma_semaphore, #tpu.memory_space<semaphore_mem>>) src(%dma_wait3A_448 : memref<1x128xi32, #tpu.memory_space<hbm>>) dst(%dma_wait3A_446 : memref<1x128xi32, #tpu.memory_space<vmem>>)
          "tpu.trace_stop"() : () -> ()
        } else {
        }
        %ne3A_274 = arith.cmpi ne, %add3A_194, %add3A_203 : i32
        %or3A_275 = arith.constant false
        %or3A_276 = arith.ori %or3A_275, %ne3A_274 : i1
        %or3A_277 = arith.ori %or3A_276, %eq3A_191 : i1
        %convert_element_type3A_278 = arith.extui %or3A_277 : i1 to i32
        %cond3A_279 = arith.constant 0 : i32
        %cond3A_280 = arith.cmpi ne, %convert_element_type3A_278, %cond3A_279 : i32
        scf.if %cond3A_280 {
          "tpu.trace_start"() <{level = 10 : i32, message = "ep_wait_in"}> : () -> ()
          %mul3A_431 = arith.constant 128 : i32
          %mul3A_432 = arith.muli %mul3A_431, %add3A_194 : i32
          %rem3A_433 = arith.constant 2 : i32
          %rem3A_434 = arith.remui %scan3A_184, %rem3A_433 : i32
          %dma_wait3A_435 = arith.constant 0 : i32
          %dma_wait3A_436 = arith.constant 0 : i32
          %dma_wait3A_437 = tpu.memref_slice %run_scoped3A_17[%rem3A_434, %dma_wait3A_435, %dma_wait3A_436] : memref<2x1x128xi32, #tpu.memory_space<vmem>> -> memref<1x1x128xi32, #tpu.memory_space<vmem>>
          %dma_wait3A_438 = tpu.memref_squeeze %dma_wait3A_437 : memref<1x1x128xi32, #tpu.memory_space<vmem>> -> memref<1x128xi32, #tpu.memory_space<vmem>>
          %dma_wait3A_439 = arith.constant 0 : i32
          %dma_wait3A_440 = tpu.memref_slice %arg6[%dma_wait3A_439, %mul3A_432] : memref<1x204800xi32, #tpu.memory_space<hbm>> -> memref<1x128xi32, #tpu.memory_space<hbm>>
          %dma_wait3A_441 = tpu.memref_slice %run_scoped3A_18[%rem3A_434] : memref<2x!tpu.dma_semaphore, #tpu.memory_space<semaphore_mem>> -> memref<1x!tpu.dma_semaphore, #tpu.memory_space<semaphore_mem>>
          %dma_wait3A_442 = tpu.memref_squeeze %dma_wait3A_441 : memref<1x!tpu.dma_semaphore, #tpu.memory_space<semaphore_mem>> -> memref<!tpu.dma_semaphore, #tpu.memory_space<semaphore_mem>>
          %dma_wait3A_443 = arith.constant 0 : i32
          %dma_wait3A_444 = arith.constant 0 : i32
          %dma_wait3A_445 = tpu.memref_slice %run_scoped3A_17[%rem3A_434, %dma_wait3A_443, %dma_wait3A_444] : memref<2x1x128xi32, #tpu.memory_space<vmem>> -> memref<1x1x128xi32, #tpu.memory_space<vmem>>
          %dma_wait3A_446 = tpu.memref_squeeze %dma_wait3A_445 : memref<1x1x128xi32, #tpu.memory_space<vmem>> -> memref<1x128xi32, #tpu.memory_space<vmem>>
          %dma_wait3A_447 = arith.constant 0 : i32
          %dma_wait3A_448 = tpu.memref_slice %arg6[%dma_wait3A_447, %mul3A_432] : memref<1x204800xi32, #tpu.memory_space<hbm>> -> memref<1x128xi32, #tpu.memory_space<hbm>>
          tpu.wait_dma2 semaphore(%dma_wait3A_442 : memref<!tpu.dma_semaphore, #tpu.memory_space<semaphore_mem>>) src(%dma_wait3A_448 : memref<1x128xi32, #tpu.memory_space<hbm>>) dst(%dma_wait3A_446 : memref<1x128xi32, #tpu.memory_space<vmem>>)
          "tpu.trace_stop"() : () -> ()
        } else {
        }
        %ne3A_281 = arith.cmpi ne, %add3A_194, %add3A_203 : i32
        %or3A_282 = arith.constant false
        %or3A_283 = arith.ori %or3A_282, %ne3A_281 : i1
        %or3A_284 = arith.constant false
        %or3A_285 = arith.ori %or3A_283, %or3A_284 : i1
        %or3A_286 = arith.ori %or3A_285, %eq3A_191 : i1
        %convert_element_type3A_287 = arith.extui %or3A_286 : i1 to i32
        %cond3A_288 = arith.constant 0 : i32
        %cond3A_289 = arith.cmpi ne, %convert_element_type3A_287, %cond3A_288 : i32
        scf.if %cond3A_289 {
        } else {
        }
        %ne3A_290 = arith.cmpi ne, %add3A_194, %add3A_203 : i32
        %or3A_291 = arith.constant false
        %or3A_292 = arith.ori %or3A_291, %ne3A_290 : i1
        %or3A_293 = arith.constant false
        %or3A_294 = arith.ori %or3A_292, %or3A_293 : i1
        %or3A_295 = arith.ori %or3A_294, %eq3A_191 : i1
        %convert_element_type3A_296 = arith.extui %or3A_295 : i1 to i32
        %cond3A_297 = arith.constant 0 : i32
        %cond3A_298 = arith.cmpi ne, %convert_element_type3A_296, %cond3A_297 : i32
        scf.if %cond3A_298 {
        } else {
        }
        %rem3A_299 = arith.constant 2 : i32
        %rem3A_300 = arith.remui %scan3A_182, %rem3A_299 : i32
        %rem3A_301 = arith.constant 2 : i32
        %rem3A_302 = arith.remui %scan3A_184, %rem3A_301 : i32
        %rem3A_303 = arith.constant 2 : i32
        %rem3A_304 = arith.remui %scan3A_185, %rem3A_303 : i32
        %rem3A_305 = arith.constant 2 : i32
        %rem3A_306 = arith.remui %scan3A_187, %rem3A_305 : i32
        %run_scoped3A_307 = arith.constant 0 : i32
        "tpu.trace_start"() <{level = 10 : i32, message = "ep_run_kernel"}> : () -> ()
        "tpu.region"() ({
          %run_scoped3A_431 = tpu.sem_alloc : memref<!tpu.dma_semaphore, #tpu.memory_space<semaphore_mem>>
          %dma_start3A_432 = arith.constant 0 : i32
          %dma_start3A_433 = arith.constant 0 : i32
          %dma_start3A_434 = tpu.memref_slice %run_scoped3A_19[%rem3A_304, %dma_start3A_432, %dma_start3A_433] : memref<2x128x64xf32, #tpu.memory_space<vmem>> -> memref<1x128x64xf32, #tpu.memory_space<vmem>>
          %dma_start3A_435 = tpu.memref_squeeze %dma_start3A_434 : memref<1x128x64xf32, #tpu.memory_space<vmem>> -> memref<128x64xf32, #tpu.memory_space<vmem>>
          %dma_start3A_436 = arith.constant 0 : i32
          %dma_start3A_437 = arith.constant 0 : i32
          %dma_start3A_438 = tpu.memref_slice %run_scoped3A[%rem3A_300, %dma_start3A_436, %dma_start3A_437] : memref<2x1x128xi32, #tpu.memory_space<vmem>> -> memref<1x1x128xi32, #tpu.memory_space<vmem>>
          %dma_start3A_439 = tpu.memref_squeeze %dma_start3A_438 : memref<1x1x128xi32, #tpu.memory_space<vmem>> -> memref<1x128xi32, #tpu.memory_space<vmem>>
          %dma_start3A_440 = arith.constant 0 : i32
          %dma_start3A_441 = tpu.memref_slice %dma_start3A_439[%run_scoped3A_307, %dma_start3A_440] : memref<1x128xi32, #tpu.memory_space<vmem>> -> memref<1x128xi32, #tpu.memory_space<vmem>>
          %dma_start3A_442 = tpu.memref_squeeze %dma_start3A_441 : memref<1x128xi32, #tpu.memory_space<vmem>> -> memref<128xi32, #tpu.memory_space<vmem>>
          %dma_start3A_443 = arith.constant 0 : i32
          %dma_start3A_444 = arith.constant 0 : i32
          %dma_start3A_445 = tpu.memref_slice %arg2[%dma_start3A_443, %dma_start3A_444] : memref<100000x64xf32, #tpu.memory_space<hbm>> -> memref<100000x64xf32, #tpu.memory_space<hbm>>
          tpu.enqueue_indirect_dma source(%dma_start3A_445 : memref<100000x64xf32, #tpu.memory_space<hbm>>) target(%dma_start3A_435 : memref<128x64xf32, #tpu.memory_space<vmem>>) offsets(%dma_start3A_442 : memref<128xi32, #tpu.memory_space<vmem>>) semaphore(%run_scoped3A_431 : memref<!tpu.dma_semaphore, #tpu.memory_space<semaphore_mem>>)
          %dma_wait3A_446 = arith.constant 0 : i32
          %dma_wait3A_447 = arith.constant 0 : i32
          %dma_wait3A_448 = tpu.memref_slice %run_scoped3A_19[%rem3A_304, %dma_wait3A_446, %dma_wait3A_447] : memref<2x128x64xf32, #tpu.memory_space<vmem>> -> memref<1x128x64xf32, #tpu.memory_space<vmem>>
          %dma_wait3A_449 = tpu.memref_squeeze %dma_wait3A_448 : memref<1x128x64xf32, #tpu.memory_space<vmem>> -> memref<128x64xf32, #tpu.memory_space<vmem>>
          %dma_wait3A_450 = arith.constant 0 : i32
          %dma_wait3A_451 = arith.constant 0 : i32
          %dma_wait3A_452 = tpu.memref_slice %run_scoped3A[%rem3A_300, %dma_wait3A_450, %dma_wait3A_451] : memref<2x1x128xi32, #tpu.memory_space<vmem>> -> memref<1x1x128xi32, #tpu.memory_space<vmem>>
          %dma_wait3A_453 = tpu.memref_squeeze %dma_wait3A_452 : memref<1x1x128xi32, #tpu.memory_space<vmem>> -> memref<1x128xi32, #tpu.memory_space<vmem>>
          %dma_wait3A_454 = arith.constant 0 : i32
          %dma_wait3A_455 = tpu.memref_slice %dma_wait3A_453[%run_scoped3A_307, %dma_wait3A_454] : memref<1x128xi32, #tpu.memory_space<vmem>> -> memref<1x128xi32, #tpu.memory_space<vmem>>
          %dma_wait3A_456 = tpu.memref_squeeze %dma_wait3A_455 : memref<1x128xi32, #tpu.memory_space<vmem>> -> memref<128xi32, #tpu.memory_space<vmem>>
          %dma_wait3A_457 = arith.constant 0 : i32
          %dma_wait3A_458 = arith.constant 0 : i32
          %dma_wait3A_459 = tpu.memref_slice %arg2[%dma_wait3A_457, %dma_wait3A_458] : memref<100000x64xf32, #tpu.memory_space<hbm>> -> memref<100000x64xf32, #tpu.memory_space<hbm>>
          tpu.wait_indirect_dma semaphore(%run_scoped3A_431 : memref<!tpu.dma_semaphore, #tpu.memory_space<semaphore_mem>>) src(%dma_wait3A_459 : memref<100000x64xf32, #tpu.memory_space<hbm>>) dst(%dma_wait3A_449 : memref<128x64xf32, #tpu.memory_space<vmem>>)
          tpu.yield
        }) : () -> ()
        %run_scoped3A_308 = arith.constant 0 : i32
        "tpu.region"() ({
          %run_scoped3A_431 = tpu.sem_alloc : memref<!tpu.dma_semaphore, #tpu.memory_space<semaphore_mem>>
          %dma_start3A_432 = arith.constant 0 : i32
          %dma_start3A_433 = arith.constant 0 : i32
          %dma_start3A_434 = tpu.memref_slice %run_scoped3A_21[%rem3A_306, %dma_start3A_432, %dma_start3A_433] : memref<2x128x64xf32, #tpu.memory_space<vmem>> -> memref<1x128x64xf32, #tpu.memory_space<vmem>>
          %dma_start3A_435 = tpu.memref_squeeze %dma_start3A_434 : memref<1x128x64xf32, #tpu.memory_space<vmem>> -> memref<128x64xf32, #tpu.memory_space<vmem>>
          %dma_start3A_436 = arith.constant 0 : i32
          %dma_start3A_437 = arith.constant 0 : i32
          %dma_start3A_438 = tpu.memref_slice %run_scoped3A_17[%rem3A_302, %dma_start3A_436, %dma_start3A_437] : memref<2x1x128xi32, #tpu.memory_space<vmem>> -> memref<1x1x128xi32, #tpu.memory_space<vmem>>
          %dma_start3A_439 = tpu.memref_squeeze %dma_start3A_438 : memref<1x1x128xi32, #tpu.memory_space<vmem>> -> memref<1x128xi32, #tpu.memory_space<vmem>>
          %dma_start3A_440 = arith.constant 0 : i32
          %dma_start3A_441 = tpu.memref_slice %dma_start3A_439[%run_scoped3A_308, %dma_start3A_440] : memref<1x128xi32, #tpu.memory_space<vmem>> -> memref<1x128xi32, #tpu.memory_space<vmem>>
          %dma_start3A_442 = tpu.memref_squeeze %dma_start3A_441 : memref<1x128xi32, #tpu.memory_space<vmem>> -> memref<128xi32, #tpu.memory_space<vmem>>
          %dma_start3A_443 = arith.constant 0 : i32
          %dma_start3A_444 = arith.constant 0 : i32
          %dma_start3A_445 = tpu.memref_slice %arg3[%dma_start3A_443, %dma_start3A_444] : memref<100000x64xf32, #tpu.memory_space<hbm>> -> memref<100000x64xf32, #tpu.memory_space<hbm>>
          tpu.enqueue_indirect_dma source(%dma_start3A_445 : memref<100000x64xf32, #tpu.memory_space<hbm>>) target(%dma_start3A_435 : memref<128x64xf32, #tpu.memory_space<vmem>>) offsets(%dma_start3A_442 : memref<128xi32, #tpu.memory_space<vmem>>) semaphore(%run_scoped3A_431 : memref<!tpu.dma_semaphore, #tpu.memory_space<semaphore_mem>>)
          %dma_wait3A_446 = arith.constant 0 : i32
          %dma_wait3A_447 = arith.constant 0 : i32
          %dma_wait3A_448 = tpu.memref_slice %run_scoped3A_21[%rem3A_306, %dma_wait3A_446, %dma_wait3A_447] : memref<2x128x64xf32, #tpu.memory_space<vmem>> -> memref<1x128x64xf32, #tpu.memory_space<vmem>>
          %dma_wait3A_449 = tpu.memref_squeeze %dma_wait3A_448 : memref<1x128x64xf32, #tpu.memory_space<vmem>> -> memref<128x64xf32, #tpu.memory_space<vmem>>
          %dma_wait3A_450 = arith.constant 0 : i32
          %dma_wait3A_451 = arith.constant 0 : i32
          %dma_wait3A_452 = tpu.memref_slice %run_scoped3A_17[%rem3A_302, %dma_wait3A_450, %dma_wait3A_451] : memref<2x1x128xi32, #tpu.memory_space<vmem>> -> memref<1x1x128xi32, #tpu.memory_space<vmem>>
          %dma_wait3A_453 = tpu.memref_squeeze %dma_wait3A_452 : memref<1x1x128xi32, #tpu.memory_space<vmem>> -> memref<1x128xi32, #tpu.memory_space<vmem>>
          %dma_wait3A_454 = arith.constant 0 : i32
          %dma_wait3A_455 = tpu.memref_slice %dma_wait3A_453[%run_scoped3A_308, %dma_wait3A_454] : memref<1x128xi32, #tpu.memory_space<vmem>> -> memref<1x128xi32, #tpu.memory_space<vmem>>
          %dma_wait3A_456 = tpu.memref_squeeze %dma_wait3A_455 : memref<1x128xi32, #tpu.memory_space<vmem>> -> memref<128xi32, #tpu.memory_space<vmem>>
          %dma_wait3A_457 = arith.constant 0 : i32
          %dma_wait3A_458 = arith.constant 0 : i32
          %dma_wait3A_459 = tpu.memref_slice %arg3[%dma_wait3A_457, %dma_wait3A_458] : memref<100000x64xf32, #tpu.memory_space<hbm>> -> memref<100000x64xf32, #tpu.memory_space<hbm>>
          tpu.wait_indirect_dma semaphore(%run_scoped3A_431 : memref<!tpu.dma_semaphore, #tpu.memory_space<semaphore_mem>>) src(%dma_wait3A_459 : memref<100000x64xf32, #tpu.memory_space<hbm>>) dst(%dma_wait3A_449 : memref<128x64xf32, #tpu.memory_space<vmem>>)
          tpu.yield
        }) : () -> ()
        "tpu.trace_stop"() : () -> ()
        %ne3A_309 = arith.cmpi ne, %add3A_194, %add3A_212 : i32
        %or3A_310 = arith.constant false
        %or3A_311 = arith.ori %or3A_310, %ne3A_309 : i1
        %or3A_312 = arith.ori %or3A_311, %eq3A_193 : i1
        %convert_element_type3A_313 = arith.extui %or3A_312 : i1 to i32
        %cond3A_314 = arith.constant 0 : i32
        %cond3A_315 = arith.cmpi ne, %convert_element_type3A_313, %cond3A_314 : i32
        scf.if %cond3A_315 {
        } else {
        }
        %and3A_316 = arith.constant false
        %and3A_317 = arith.andi %or3A_312, %and3A_316 : i1
        %ne3A_318 = arith.cmpi ne, %add3A_194, %add3A_212 : i32
        %or3A_319 = arith.constant false
        %or3A_320 = arith.ori %or3A_319, %ne3A_318 : i1
        %or3A_321 = arith.ori %or3A_320, %eq3A_193 : i1
        %convert_element_type3A_322 = arith.extui %or3A_321 : i1 to i32
        %cond3A_323 = arith.constant 0 : i32
        %cond3A_324 = arith.cmpi ne, %convert_element_type3A_322, %cond3A_323 : i32
        scf.if %cond3A_324 {
        } else {
        }
        %and3A_325 = arith.constant false
        %and3A_326 = arith.andi %or3A_321, %and3A_325 : i1
        %ne3A_327 = arith.cmpi ne, %add3A_194, %add3A_212 : i32
        %or3A_328 = arith.constant false
        %or3A_329 = arith.ori %or3A_328, %ne3A_327 : i1
        %or3A_330 = arith.constant false
        %or3A_331 = arith.ori %or3A_329, %or3A_330 : i1
        %or3A_332 = arith.ori %or3A_331, %eq3A_193 : i1
        %convert_element_type3A_333 = arith.extui %or3A_332 : i1 to i32
        %cond3A_334 = arith.constant 0 : i32
        %cond3A_335 = arith.cmpi ne, %convert_element_type3A_333, %cond3A_334 : i32
        scf.if %cond3A_335 {
          "tpu.trace_start"() <{level = 10 : i32, message = "ep_copy_out"}> : () -> ()
          %rem3A_431 = arith.constant 2 : i32
          %rem3A_432 = arith.remui %scan3A_185, %rem3A_431 : i32
          %mul3A_433 = arith.constant 128 : i32
          %mul3A_434 = arith.muli %mul3A_433, %add3A_194 : i32
          %dma_start3A_435 = arith.constant 0 : i32
          %dma_start3A_436 = arith.constant 0 : i32
          %dma_start3A_437 = tpu.memref_slice %run_scoped3A_19[%rem3A_432, %dma_start3A_435, %dma_start3A_436] : memref<2x128x64xf32, #tpu.memory_space<vmem>> -> memref<1x128x64xf32, #tpu.memory_space<vmem>>
          %dma_start3A_438 = tpu.memref_squeeze %dma_start3A_437 : memref<1x128x64xf32, #tpu.memory_space<vmem>> -> memref<128x64xf32, #tpu.memory_space<vmem>>
          %dma_start3A_439 = arith.constant 0 : i32
          %dma_start3A_440 = tpu.memref_slice %arg8[%mul3A_434, %dma_start3A_439] : memref<204800x64xf32, #tpu.memory_space<hbm>> -> memref<128x64xf32, #tpu.memory_space<hbm>>
          %dma_start3A_441 = tpu.memref_slice %run_scoped3A_20[%rem3A_432] : memref<2x!tpu.dma_semaphore, #tpu.memory_space<semaphore_mem>> -> memref<1x!tpu.dma_semaphore, #tpu.memory_space<semaphore_mem>>
          %dma_start3A_442 = tpu.memref_squeeze %dma_start3A_441 : memref<1x!tpu.dma_semaphore, #tpu.memory_space<semaphore_mem>> -> memref<!tpu.dma_semaphore, #tpu.memory_space<semaphore_mem>>
          %dma_start3A_443 = arith.constant 0 : i32
          %dma_start3A_444 = tpu.memref_slice %arg8[%mul3A_434, %dma_start3A_443] : memref<204800x64xf32, #tpu.memory_space<hbm>> -> memref<128x64xf32, #tpu.memory_space<hbm>>
          %dma_start3A_445 = arith.constant 0 : i32
          %dma_start3A_446 = arith.constant 0 : i32
          %dma_start3A_447 = tpu.memref_slice %run_scoped3A_19[%rem3A_432, %dma_start3A_445, %dma_start3A_446] : memref<2x128x64xf32, #tpu.memory_space<vmem>> -> memref<1x128x64xf32, #tpu.memory_space<vmem>>
          %dma_start3A_448 = tpu.memref_squeeze %dma_start3A_447 : memref<1x128x64xf32, #tpu.memory_space<vmem>> -> memref<128x64xf32, #tpu.memory_space<vmem>>
          tpu.enqueue_dma source(%dma_start3A_448 : memref<128x64xf32, #tpu.memory_space<vmem>>) target(%dma_start3A_444 : memref<128x64xf32, #tpu.memory_space<hbm>>) target_semaphore(%dma_start3A_442 : memref<!tpu.dma_semaphore, #tpu.memory_space<semaphore_mem>>)
          "tpu.trace_stop"() : () -> ()
        } else {
        }
        %and3A_336 = arith.constant true
        %and3A_337 = arith.andi %or3A_332, %and3A_336 : i1
        %add3A_338 = arith.constant 1 : i32
        %add3A_339 = arith.addi %scan3A_185, %add3A_338 : i32
        %select_n3A_340 = arith.select %and3A_337, %add3A_339, %scan3A_185 : i32
        %ne3A_341 = arith.cmpi ne, %add3A_194, %add3A_212 : i32
        %or3A_342 = arith.constant false
        %or3A_343 = arith.ori %or3A_342, %ne3A_341 : i1
        %or3A_344 = arith.constant false
        %or3A_345 = arith.ori %or3A_343, %or3A_344 : i1
        %or3A_346 = arith.ori %or3A_345, %eq3A_193 : i1
        %convert_element_type3A_347 = arith.extui %or3A_346 : i1 to i32
        %cond3A_348 = arith.constant 0 : i32
        %cond3A_349 = arith.cmpi ne, %convert_element_type3A_347, %cond3A_348 : i32
        scf.if %cond3A_349 {
          "tpu.trace_start"() <{level = 10 : i32, message = "ep_copy_out"}> : () -> ()
          %rem3A_431 = arith.constant 2 : i32
          %rem3A_432 = arith.remui %scan3A_187, %rem3A_431 : i32
          %mul3A_433 = arith.constant 128 : i32
          %mul3A_434 = arith.muli %mul3A_433, %add3A_194 : i32
          %dma_start3A_435 = arith.constant 0 : i32
          %dma_start3A_436 = arith.constant 0 : i32
          %dma_start3A_437 = tpu.memref_slice %run_scoped3A_21[%rem3A_432, %dma_start3A_435, %dma_start3A_436] : memref<2x128x64xf32, #tpu.memory_space<vmem>> -> memref<1x128x64xf32, #tpu.memory_space<vmem>>
          %dma_start3A_438 = tpu.memref_squeeze %dma_start3A_437 : memref<1x128x64xf32, #tpu.memory_space<vmem>> -> memref<128x64xf32, #tpu.memory_space<vmem>>
          %dma_start3A_439 = arith.constant 0 : i32
          %dma_start3A_440 = tpu.memref_slice %arg9[%mul3A_434, %dma_start3A_439] : memref<204800x64xf32, #tpu.memory_space<hbm>> -> memref<128x64xf32, #tpu.memory_space<hbm>>
          %dma_start3A_441 = tpu.memref_slice %run_scoped3A_22[%rem3A_432] : memref<2x!tpu.dma_semaphore, #tpu.memory_space<semaphore_mem>> -> memref<1x!tpu.dma_semaphore, #tpu.memory_space<semaphore_mem>>
          %dma_start3A_442 = tpu.memref_squeeze %dma_start3A_441 : memref<1x!tpu.dma_semaphore, #tpu.memory_space<semaphore_mem>> -> memref<!tpu.dma_semaphore, #tpu.memory_space<semaphore_mem>>
          %dma_start3A_443 = arith.constant 0 : i32
          %dma_start3A_444 = tpu.memref_slice %arg9[%mul3A_434, %dma_start3A_443] : memref<204800x64xf32, #tpu.memory_space<hbm>> -> memref<128x64xf32, #tpu.memory_space<hbm>>
          %dma_start3A_445 = arith.constant 0 : i32
          %dma_start3A_446 = arith.constant 0 : i32
          %dma_start3A_447 = tpu.memref_slice %run_scoped3A_21[%rem3A_432, %dma_start3A_445, %dma_start3A_446] : memref<2x128x64xf32, #tpu.memory_space<vmem>> -> memref<1x128x64xf32, #tpu.memory_space<vmem>>
          %dma_start3A_448 = tpu.memref_squeeze %dma_start3A_447 : memref<1x128x64xf32, #tpu.memory_space<vmem>> -> memref<128x64xf32, #tpu.memory_space<vmem>>
          tpu.enqueue_dma source(%dma_start3A_448 : memref<128x64xf32, #tpu.memory_space<vmem>>) target(%dma_start3A_444 : memref<128x64xf32, #tpu.memory_space<hbm>>) target_semaphore(%dma_start3A_442 : memref<!tpu.dma_semaphore, #tpu.memory_space<semaphore_mem>>)
          "tpu.trace_stop"() : () -> ()
        } else {
        }
        %and3A_350 = arith.constant true
        %and3A_351 = arith.andi %or3A_346, %and3A_350 : i1
        %add3A_352 = arith.constant 1 : i32
        %add3A_353 = arith.addi %scan3A_187, %add3A_352 : i32
        %select_n3A_354 = arith.select %and3A_351, %add3A_353, %scan3A_187 : i32
        %ne3A_355 = arith.cmpi ne, %add3A_194, %add3A_203 : i32
        %or3A_356 = arith.constant false
        %or3A_357 = arith.ori %or3A_356, %ne3A_355 : i1
        %not3A_358 = arith.constant true
        %not3A_359 = arith.xori %eq3A_191, %not3A_358 : i1
        %and3A_360 = arith.andi %or3A_357, %not3A_359 : i1
        %convert_element_type3A_361 = arith.extui %and3A_360 : i1 to i32
        %cond3A_362 = arith.constant 0 : i32
        %cond3A_363 = arith.cmpi ne, %convert_element_type3A_361, %cond3A_362 : i32
        scf.if %cond3A_363 {
        } else {
        }
        %and3A_364 = arith.constant false
        %and3A_365 = arith.andi %and3A_360, %and3A_364 : i1
        %ne3A_366 = arith.cmpi ne, %add3A_194, %add3A_203 : i32
        %or3A_367 = arith.constant false
        %or3A_368 = arith.ori %or3A_367, %ne3A_366 : i1
        %not3A_369 = arith.constant true
        %not3A_370 = arith.xori %eq3A_191, %not3A_369 : i1
        %and3A_371 = arith.andi %or3A_368, %not3A_370 : i1
        %convert_element_type3A_372 = arith.extui %and3A_371 : i1 to i32
        %cond3A_373 = arith.constant 0 : i32
        %cond3A_374 = arith.cmpi ne, %convert_element_type3A_372, %cond3A_373 : i32
        scf.if %cond3A_374 {
        } else {
        }
        %and3A_375 = arith.constant false
        %and3A_376 = arith.andi %and3A_371, %and3A_375 : i1
        %ne3A_377 = arith.cmpi ne, %add3A_194, %add3A_203 : i32
        %or3A_378 = arith.constant false
        %or3A_379 = arith.ori %or3A_378, %ne3A_377 : i1
        %or3A_380 = arith.constant false
        %or3A_381 = arith.ori %or3A_379, %or3A_380 : i1
        %not3A_382 = arith.constant true
        %not3A_383 = arith.xori %eq3A_191, %not3A_382 : i1
        %and3A_384 = arith.andi %or3A_381, %not3A_383 : i1
        %convert_element_type3A_385 = arith.extui %and3A_384 : i1 to i32
        %cond3A_386 = arith.constant 0 : i32
        %cond3A_387 = arith.cmpi ne, %convert_element_type3A_385, %cond3A_386 : i32
        scf.if %cond3A_387 {
          "tpu.trace_start"() <{level = 10 : i32, message = "ep_wait_out"}> : () -> ()
          %rem3A_431 = arith.constant 2 : i32
          %rem3A_432 = arith.remui %scan3A_186, %rem3A_431 : i32
          %mul3A_433 = arith.constant 128 : i32
          %mul3A_434 = arith.muli %mul3A_433, %add3A_203 : i32
          %dma_wait3A_435 = arith.constant 0 : i32
          %dma_wait3A_436 = arith.constant 0 : i32
          %dma_wait3A_437 = tpu.memref_slice %run_scoped3A_19[%rem3A_432, %dma_wait3A_435, %dma_wait3A_436] : memref<2x128x64xf32, #tpu.memory_space<vmem>> -> memref<1x128x64xf32, #tpu.memory_space<vmem>>
          %dma_wait3A_438 = tpu.memref_squeeze %dma_wait3A_437 : memref<1x128x64xf32, #tpu.memory_space<vmem>> -> memref<128x64xf32, #tpu.memory_space<vmem>>
          %dma_wait3A_439 = arith.constant 0 : i32
          %dma_wait3A_440 = tpu.memref_slice %arg8[%mul3A_434, %dma_wait3A_439] : memref<204800x64xf32, #tpu.memory_space<hbm>> -> memref<128x64xf32, #tpu.memory_space<hbm>>
          %dma_wait3A_441 = tpu.memref_slice %run_scoped3A_20[%rem3A_432] : memref<2x!tpu.dma_semaphore, #tpu.memory_space<semaphore_mem>> -> memref<1x!tpu.dma_semaphore, #tpu.memory_space<semaphore_mem>>
          %dma_wait3A_442 = tpu.memref_squeeze %dma_wait3A_441 : memref<1x!tpu.dma_semaphore, #tpu.memory_space<semaphore_mem>> -> memref<!tpu.dma_semaphore, #tpu.memory_space<semaphore_mem>>
          %dma_wait3A_443 = arith.constant 0 : i32
          %dma_wait3A_444 = tpu.memref_slice %arg8[%mul3A_434, %dma_wait3A_443] : memref<204800x64xf32, #tpu.memory_space<hbm>> -> memref<128x64xf32, #tpu.memory_space<hbm>>
          %dma_wait3A_445 = arith.constant 0 : i32
          %dma_wait3A_446 = arith.constant 0 : i32
          %dma_wait3A_447 = tpu.memref_slice %run_scoped3A_19[%rem3A_432, %dma_wait3A_445, %dma_wait3A_446] : memref<2x128x64xf32, #tpu.memory_space<vmem>> -> memref<1x128x64xf32, #tpu.memory_space<vmem>>
          %dma_wait3A_448 = tpu.memref_squeeze %dma_wait3A_447 : memref<1x128x64xf32, #tpu.memory_space<vmem>> -> memref<128x64xf32, #tpu.memory_space<vmem>>
          tpu.wait_dma2 semaphore(%dma_wait3A_442 : memref<!tpu.dma_semaphore, #tpu.memory_space<semaphore_mem>>) src(%dma_wait3A_448 : memref<128x64xf32, #tpu.memory_space<vmem>>) dst(%dma_wait3A_444 : memref<128x64xf32, #tpu.memory_space<hbm>>)
          "tpu.trace_stop"() : () -> ()
        } else {
        }
        %and3A_388 = arith.constant true
        %and3A_389 = arith.andi %and3A_384, %and3A_388 : i1
        %add3A_390 = arith.constant 1 : i32
        %add3A_391 = arith.addi %scan3A_186, %add3A_390 : i32
        %select_n3A_392 = arith.select %and3A_389, %add3A_391, %scan3A_186 : i32
        %ne3A_393 = arith.cmpi ne, %add3A_194, %add3A_203 : i32
        %or3A_394 = arith.constant false
        %or3A_395 = arith.ori %or3A_394, %ne3A_393 : i1
        %or3A_396 = arith.constant false
        %or3A_397 = arith.ori %or3A_395, %or3A_396 : i1
        %not3A_398 = arith.constant true
        %not3A_399 = arith.xori %eq3A_191, %not3A_398 : i1
        %and3A_400 = arith.andi %or3A_397, %not3A_399 : i1
        %convert_element_type3A_401 = arith.extui %and3A_400 : i1 to i32
        %cond3A_402 = arith.constant 0 : i32
        %cond3A_403 = arith.cmpi ne, %convert_element_type3A_401, %cond3A_402 : i32
        scf.if %cond3A_403 {
          "tpu.trace_start"() <{level = 10 : i32, message = "ep_wait_out"}> : () -> ()
          %rem3A_431 = arith.constant 2 : i32
          %rem3A_432 = arith.remui %scan3A_188, %rem3A_431 : i32
          %mul3A_433 = arith.constant 128 : i32
          %mul3A_434 = arith.muli %mul3A_433, %add3A_203 : i32
          %dma_wait3A_435 = arith.constant 0 : i32
          %dma_wait3A_436 = arith.constant 0 : i32
          %dma_wait3A_437 = tpu.memref_slice %run_scoped3A_21[%rem3A_432, %dma_wait3A_435, %dma_wait3A_436] : memref<2x128x64xf32, #tpu.memory_space<vmem>> -> memref<1x128x64xf32, #tpu.memory_space<vmem>>
          %dma_wait3A_438 = tpu.memref_squeeze %dma_wait3A_437 : memref<1x128x64xf32, #tpu.memory_space<vmem>> -> memref<128x64xf32, #tpu.memory_space<vmem>>
          %dma_wait3A_439 = arith.constant 0 : i32
          %dma_wait3A_440 = tpu.memref_slice %arg9[%mul3A_434, %dma_wait3A_439] : memref<204800x64xf32, #tpu.memory_space<hbm>> -> memref<128x64xf32, #tpu.memory_space<hbm>>
          %dma_wait3A_441 = tpu.memref_slice %run_scoped3A_22[%rem3A_432] : memref<2x!tpu.dma_semaphore, #tpu.memory_space<semaphore_mem>> -> memref<1x!tpu.dma_semaphore, #tpu.memory_space<semaphore_mem>>
          %dma_wait3A_442 = tpu.memref_squeeze %dma_wait3A_441 : memref<1x!tpu.dma_semaphore, #tpu.memory_space<semaphore_mem>> -> memref<!tpu.dma_semaphore, #tpu.memory_space<semaphore_mem>>
          %dma_wait3A_443 = arith.constant 0 : i32
          %dma_wait3A_444 = tpu.memref_slice %arg9[%mul3A_434, %dma_wait3A_443] : memref<204800x64xf32, #tpu.memory_space<hbm>> -> memref<128x64xf32, #tpu.memory_space<hbm>>
          %dma_wait3A_445 = arith.constant 0 : i32
          %dma_wait3A_446 = arith.constant 0 : i32
          %dma_wait3A_447 = tpu.memref_slice %run_scoped3A_21[%rem3A_432, %dma_wait3A_445, %dma_wait3A_446] : memref<2x128x64xf32, #tpu.memory_space<vmem>> -> memref<1x128x64xf32, #tpu.memory_space<vmem>>
          %dma_wait3A_448 = tpu.memref_squeeze %dma_wait3A_447 : memref<1x128x64xf32, #tpu.memory_space<vmem>> -> memref<128x64xf32, #tpu.memory_space<vmem>>
          tpu.wait_dma2 semaphore(%dma_wait3A_442 : memref<!tpu.dma_semaphore, #tpu.memory_space<semaphore_mem>>) src(%dma_wait3A_448 : memref<128x64xf32, #tpu.memory_space<vmem>>) dst(%dma_wait3A_444 : memref<128x64xf32, #tpu.memory_space<hbm>>)
          "tpu.trace_stop"() : () -> ()
        } else {
        }
        %and3A_404 = arith.constant true
        %and3A_405 = arith.andi %and3A_400, %and3A_404 : i1
        %add3A_406 = arith.constant 1 : i32
        %add3A_407 = arith.addi %scan3A_188, %add3A_406 : i32
        %select_n3A_408 = arith.select %and3A_405, %add3A_407, %scan3A_188 : i32
        %ne3A_409 = arith.cmpi ne, %add3A_194, %add3A_212 : i32
        %or3A_410 = arith.constant false
        %or3A_411 = arith.ori %or3A_410, %ne3A_409 : i1
        %or3A_412 = arith.ori %or3A_411, %eq3A_193 : i1
        %add3A_413 = arith.constant 1 : i32
        %add3A_414 = arith.addi %scan3A_182, %add3A_413 : i32
        %select_n3A_415 = arith.select %or3A_412, %add3A_414, %scan3A_182 : i32
        %ne3A_416 = arith.cmpi ne, %add3A_194, %add3A_212 : i32
        %or3A_417 = arith.constant false
        %or3A_418 = arith.ori %or3A_417, %ne3A_416 : i1
        %or3A_419 = arith.ori %or3A_418, %eq3A_193 : i1
        %add3A_420 = arith.constant 1 : i32
        %add3A_421 = arith.addi %scan3A_184, %add3A_420 : i32
        %select_n3A_422 = arith.select %or3A_419, %add3A_421, %scan3A_184 : i32
        %add3A_423 = arith.constant 1 : i32
        %add3A_424 = arith.addi %scan3A_189, %add3A_423 : i32
        %select_n3A_425 = arith.constant true
        %select_n3A_426 = arith.select %select_n3A_425, %add3A_424, %scan3A_189 : i32
        %eq3A_427 = arith.constant 50 : i32
        %eq3A_428 = arith.cmpi eq, %select_n3A_426, %eq3A_427 : i32
        %select_n3A_429 = arith.constant 0 : i32
        %select_n3A_430 = arith.select %eq3A_428, %select_n3A_429, %select_n3A_426 : i32
        scf.yield %select_n3A_230, %select_n3A_415, %select_n3A_246, %select_n3A_422, %select_n3A_340, %select_n3A_392, %select_n3A_354, %select_n3A_408, %select_n3A_430 : i32, i32, i32, i32, i32, i32, i32, i32, i32
      }
      %scan3A_109 = arith.constant 50 : i32
      %sub3A = arith.constant 1 : i32
      %sub3A_110 = arith.subi %scan3A_108#8, %sub3A : i32
      %select_n3A_111 = arith.constant true
      %select_n3A_112 = arith.select %select_n3A_111, %sub3A_110, %scan3A_108#8 : i32
      %eq3A_113 = arith.constant -1 : i32
      %eq3A_114 = arith.cmpi eq, %select_n3A_112, %eq3A_113 : i32
      %select_n3A_115 = arith.constant 49 : i32
      %select_n3A_116 = arith.select %eq3A_114, %select_n3A_115, %select_n3A_112 : i32
      %add3A_117 = arith.addi %select_n3A_116, %mul3A_6 : i32
      %sub3A_118 = arith.constant 1 : i32
      %sub3A_119 = arith.subi %select_n3A_116, %sub3A_118 : i32
      %select_n3A_120 = arith.constant true
      %select_n3A_121 = arith.select %select_n3A_120, %sub3A_119, %select_n3A_116 : i32
      %eq3A_122 = arith.constant -1 : i32
      %eq3A_123 = arith.cmpi eq, %select_n3A_121, %eq3A_122 : i32
      %select_n3A_124 = arith.constant 49 : i32
      %select_n3A_125 = arith.select %eq3A_123, %select_n3A_124, %select_n3A_121 : i32
      %add3A_126 = arith.addi %select_n3A_125, %mul3A_6 : i32
      %add3A_127 = arith.constant 1 : i32
      %add3A_128 = arith.addi %select_n3A_116, %add3A_127 : i32
      %select_n3A_129 = arith.constant true
      %select_n3A_130 = arith.select %select_n3A_129, %add3A_128, %select_n3A_116 : i32
      %eq3A_131 = arith.constant 50 : i32
      %eq3A_132 = arith.cmpi eq, %select_n3A_130, %eq3A_131 : i32
      %select_n3A_133 = arith.constant 0 : i32
      %select_n3A_134 = arith.select %eq3A_132, %select_n3A_133, %select_n3A_130 : i32
      %add3A_135 = arith.addi %select_n3A_134, %mul3A_6 : i32
      %add3A_136 = arith.constant 1 : i32
      %add3A_137 = arith.addi %select_n3A_134, %add3A_136 : i32
      %select_n3A_138 = arith.constant true
      %select_n3A_139 = arith.select %select_n3A_138, %add3A_137, %select_n3A_134 : i32
      %eq3A_140 = arith.constant 50 : i32
      %eq3A_141 = arith.cmpi eq, %select_n3A_139, %eq3A_140 : i32
      %select_n3A_142 = arith.constant 0 : i32
      %select_n3A_143 = arith.select %eq3A_141, %select_n3A_142, %select_n3A_139 : i32
      %add3A_144 = arith.addi %select_n3A_143, %mul3A_6 : i32
      "tpu.trace_start"() <{level = 10 : i32, message = "ep_finalize"}> : () -> ()
      %rem3A_145 = arith.constant 2 : i32
      %rem3A_146 = arith.remui %scan3A_108#5, %rem3A_145 : i32
      %mul3A_147 = arith.constant 128 : i32
      %mul3A_148 = arith.muli %mul3A_147, %add3A_117 : i32
      %dma_wait3A = arith.constant 0 : i32
      %dma_wait3A_149 = arith.constant 0 : i32
      %dma_wait3A_150 = tpu.memref_slice %run_scoped3A_19[%rem3A_146, %dma_wait3A, %dma_wait3A_149] : memref<2x128x64xf32, #tpu.memory_space<vmem>> -> memref<1x128x64xf32, #tpu.memory_space<vmem>>
      %dma_wait3A_151 = tpu.memref_squeeze %dma_wait3A_150 : memref<1x128x64xf32, #tpu.memory_space<vmem>> -> memref<128x64xf32, #tpu.memory_space<vmem>>
      %dma_wait3A_152 = arith.constant 0 : i32
      %dma_wait3A_153 = tpu.memref_slice %arg8[%mul3A_148, %dma_wait3A_152] : memref<204800x64xf32, #tpu.memory_space<hbm>> -> memref<128x64xf32, #tpu.memory_space<hbm>>
      %dma_wait3A_154 = tpu.memref_slice %run_scoped3A_20[%rem3A_146] : memref<2x!tpu.dma_semaphore, #tpu.memory_space<semaphore_mem>> -> memref<1x!tpu.dma_semaphore, #tpu.memory_space<semaphore_mem>>
      %dma_wait3A_155 = tpu.memref_squeeze %dma_wait3A_154 : memref<1x!tpu.dma_semaphore, #tpu.memory_space<semaphore_mem>> -> memref<!tpu.dma_semaphore, #tpu.memory_space<semaphore_mem>>
      %dma_wait3A_156 = arith.constant 0 : i32
      %dma_wait3A_157 = tpu.memref_slice %arg8[%mul3A_148, %dma_wait3A_156] : memref<204800x64xf32, #tpu.memory_space<hbm>> -> memref<128x64xf32, #tpu.memory_space<hbm>>
      %dma_wait3A_158 = arith.constant 0 : i32
      %dma_wait3A_159 = arith.constant 0 : i32
      %dma_wait3A_160 = tpu.memref_slice %run_scoped3A_19[%rem3A_146, %dma_wait3A_158, %dma_wait3A_159] : memref<2x128x64xf32, #tpu.memory_space<vmem>> -> memref<1x128x64xf32, #tpu.memory_space<vmem>>
      %dma_wait3A_161 = tpu.memref_squeeze %dma_wait3A_160 : memref<1x128x64xf32, #tpu.memory_space<vmem>> -> memref<128x64xf32, #tpu.memory_space<vmem>>
      tpu.wait_dma2 semaphore(%dma_wait3A_155 : memref<!tpu.dma_semaphore, #tpu.memory_space<semaphore_mem>>) src(%dma_wait3A_161 : memref<128x64xf32, #tpu.memory_space<vmem>>) dst(%dma_wait3A_157 : memref<128x64xf32, #tpu.memory_space<hbm>>)
      %rem3A_162 = arith.constant 2 : i32
      %rem3A_163 = arith.remui %scan3A_108#7, %rem3A_162 : i32
      %mul3A_164 = arith.constant 128 : i32
      %mul3A_165 = arith.muli %mul3A_164, %add3A_117 : i32
      %dma_wait3A_166 = arith.constant 0 : i32
      %dma_wait3A_167 = arith.constant 0 : i32
      %dma_wait3A_168 = tpu.memref_slice %run_scoped3A_21[%rem3A_163, %dma_wait3A_166, %dma_wait3A_167] : memref<2x128x64xf32, #tpu.memory_space<vmem>> -> memref<1x128x64xf32, #tpu.memory_space<vmem>>
      %dma_wait3A_169 = tpu.memref_squeeze %dma_wait3A_168 : memref<1x128x64xf32, #tpu.memory_space<vmem>> -> memref<128x64xf32, #tpu.memory_space<vmem>>
      %dma_wait3A_170 = arith.constant 0 : i32
      %dma_wait3A_171 = tpu.memref_slice %arg9[%mul3A_165, %dma_wait3A_170] : memref<204800x64xf32, #tpu.memory_space<hbm>> -> memref<128x64xf32, #tpu.memory_space<hbm>>
      %dma_wait3A_172 = tpu.memref_slice %run_scoped3A_22[%rem3A_163] : memref<2x!tpu.dma_semaphore, #tpu.memory_space<semaphore_mem>> -> memref<1x!tpu.dma_semaphore, #tpu.memory_space<semaphore_mem>>
      %dma_wait3A_173 = tpu.memref_squeeze %dma_wait3A_172 : memref<1x!tpu.dma_semaphore, #tpu.memory_space<semaphore_mem>> -> memref<!tpu.dma_semaphore, #tpu.memory_space<semaphore_mem>>
      %dma_wait3A_174 = arith.constant 0 : i32
      %dma_wait3A_175 = tpu.memref_slice %arg9[%mul3A_165, %dma_wait3A_174] : memref<204800x64xf32, #tpu.memory_space<hbm>> -> memref<128x64xf32, #tpu.memory_space<hbm>>
      %dma_wait3A_176 = arith.constant 0 : i32
      %dma_wait3A_177 = arith.constant 0 : i32
      %dma_wait3A_178 = tpu.memref_slice %run_scoped3A_21[%rem3A_163, %dma_wait3A_176, %dma_wait3A_177] : memref<2x128x64xf32, #tpu.memory_space<vmem>> -> memref<1x128x64xf32, #tpu.memory_space<vmem>>
      %dma_wait3A_179 = tpu.memref_squeeze %dma_wait3A_178 : memref<1x128x64xf32, #tpu.memory_space<vmem>> -> memref<128x64xf32, #tpu.memory_space<vmem>>
      tpu.wait_dma2 semaphore(%dma_wait3A_173 : memref<!tpu.dma_semaphore, #tpu.memory_space<semaphore_mem>>) src(%dma_wait3A_179 : memref<128x64xf32, #tpu.memory_space<vmem>>) dst(%dma_wait3A_175 : memref<128x64xf32, #tpu.memory_space<hbm>>)
      "tpu.trace_stop"() : () -> ()
      tpu.yield
    }) : () -> ()
    %mul3A_7 = arith.constant 1 : i32
    %mul3A_8 = arith.muli %arg1, %mul3A_7 : i32
    %add3A_9 = arith.constant 0 : i32
    %add3A_10 = arith.addi %add3A_9, %mul3A_8 : i32
    %mul3A_11 = arith.constant 16 : i32
    %mul3A_12 = arith.muli %arg0, %mul3A_11 : i32
    %add3A_13 = arith.addi %add3A_10, %mul3A_12 : i32
    %mul3A_14 = arith.constant 1 : i32
    %mul3A_15 = arith.muli %add3A_13, %mul3A_14 : i32
    "tpu.region"() ({
      %run_scoped3A = memref.alloca() : memref<2x1x128xi32, #tpu.memory_space<vmem>>
      %run_scoped3A_16 = tpu.sem_alloc : memref<2x!tpu.dma_semaphore, #tpu.memory_space<semaphore_mem>>
      %run_scoped3A_17 = memref.alloca() : memref<2x128x64xf32, #tpu.memory_space<vmem>>
      %run_scoped3A_18 = tpu.sem_alloc : memref<2x!tpu.dma_semaphore, #tpu.memory_space<semaphore_mem>>
      %add3A_19 = arith.constant 0 : i32
      %add3A_20 = arith.addi %add3A_19, %mul3A_15 : i32
      %select_n3A = arith.constant true
      %select_n3A_21 = arith.constant 0 : i32
      %select_n3A_22 = arith.constant -1 : i32
      %select_n3A_23 = arith.select %select_n3A, %select_n3A_22, %select_n3A_21 : i32
      %eq3A = arith.constant -1 : i32
      %eq3A_24 = arith.cmpi eq, %select_n3A_23, %eq3A : i32
      %select_n3A_25 = arith.constant 0 : i32
      %select_n3A_26 = arith.select %eq3A_24, %select_n3A_25, %select_n3A_23 : i32
      %add3A_27 = arith.constant 0 : i32
      %add3A_28 = arith.addi %add3A_27, %mul3A_15 : i32
      %select_n3A_29 = arith.constant true
      %select_n3A_30 = arith.constant 0 : i32
      %select_n3A_31 = arith.constant 1 : i32
      %select_n3A_32 = arith.select %select_n3A_29, %select_n3A_31, %select_n3A_30 : i32
      %eq3A_33 = arith.constant 1 : i32
      %eq3A_34 = arith.cmpi eq, %select_n3A_32, %eq3A_33 : i32
      %select_n3A_35 = arith.constant 0 : i32
      %select_n3A_36 = arith.select %eq3A_34, %select_n3A_35, %select_n3A_32 : i32
      %add3A_37 = arith.constant 0 : i32
      %add3A_38 = arith.addi %add3A_37, %mul3A_15 : i32
      %select_n3A_39 = arith.constant true
      %select_n3A_40 = arith.constant 0 : i32
      %select_n3A_41 = arith.constant 1 : i32
      %select_n3A_42 = arith.select %select_n3A_39, %select_n3A_41, %select_n3A_40 : i32
      %eq3A_43 = arith.constant 1 : i32
      %eq3A_44 = arith.cmpi eq, %select_n3A_42, %eq3A_43 : i32
      %select_n3A_45 = arith.constant 0 : i32
      %select_n3A_46 = arith.select %eq3A_44, %select_n3A_45, %select_n3A_42 : i32
      %add3A_47 = arith.constant 0 : i32
      %add3A_48 = arith.addi %add3A_47, %mul3A_15 : i32
      "tpu.trace_start"() <{level = 10 : i32, message = "ep_initialize_0"}> : () -> ()
      %rem3A = arith.constant 0 : i32
      %rem3A_49 = arith.constant 2 : i32
      %rem3A_50 = arith.remui %rem3A, %rem3A_49 : i32
      %mul3A_51 = arith.constant 128 : i32
      %mul3A_52 = arith.muli %mul3A_51, %add3A_20 : i32
      %dma_start3A = arith.constant 0 : i32
      %dma_start3A_53 = arith.constant 0 : i32
      %dma_start3A_54 = tpu.memref_slice %run_scoped3A[%rem3A_50, %dma_start3A, %dma_start3A_53] : memref<2x1x128xi32, #tpu.memory_space<vmem>> -> memref<1x1x128xi32, #tpu.memory_space<vmem>>
      %dma_start3A_55 = tpu.memref_squeeze %dma_start3A_54 : memref<1x1x128xi32, #tpu.memory_space<vmem>> -> memref<1x128xi32, #tpu.memory_space<vmem>>
      %dma_start3A_56 = arith.constant 0 : i32
      %dma_start3A_57 = tpu.memref_slice %arg7[%dma_start3A_56, %mul3A_52] : memref<1x4096xi32, #tpu.memory_space<hbm>> -> memref<1x128xi32, #tpu.memory_space<hbm>>
      %dma_start3A_58 = tpu.memref_slice %run_scoped3A_16[%rem3A_50] : memref<2x!tpu.dma_semaphore, #tpu.memory_space<semaphore_mem>> -> memref<1x!tpu.dma_semaphore, #tpu.memory_space<semaphore_mem>>
      %dma_start3A_59 = tpu.memref_squeeze %dma_start3A_58 : memref<1x!tpu.dma_semaphore, #tpu.memory_space<semaphore_mem>> -> memref<!tpu.dma_semaphore, #tpu.memory_space<semaphore_mem>>
      %dma_start3A_60 = arith.constant 0 : i32
      %dma_start3A_61 = arith.constant 0 : i32
      %dma_start3A_62 = tpu.memref_slice %run_scoped3A[%rem3A_50, %dma_start3A_60, %dma_start3A_61] : memref<2x1x128xi32, #tpu.memory_space<vmem>> -> memref<1x1x128xi32, #tpu.memory_space<vmem>>
      %dma_start3A_63 = tpu.memref_squeeze %dma_start3A_62 : memref<1x1x128xi32, #tpu.memory_space<vmem>> -> memref<1x128xi32, #tpu.memory_space<vmem>>
      %dma_start3A_64 = arith.constant 0 : i32
      %dma_start3A_65 = tpu.memref_slice %arg7[%dma_start3A_64, %mul3A_52] : memref<1x4096xi32, #tpu.memory_space<hbm>> -> memref<1x128xi32, #tpu.memory_space<hbm>>
      tpu.enqueue_dma source(%dma_start3A_65 : memref<1x128xi32, #tpu.memory_space<hbm>>) target(%dma_start3A_63 : memref<1x128xi32, #tpu.memory_space<vmem>>) target_semaphore(%dma_start3A_59 : memref<!tpu.dma_semaphore, #tpu.memory_space<semaphore_mem>>)
      %add3A_66 = arith.constant 0 : i32
      %add3A_67 = arith.constant 1 : i32
      %add3A_68 = arith.addi %add3A_66, %add3A_67 : i32
      %select_n3A_69 = arith.constant true
      %select_n3A_70 = arith.constant 0 : i32
      %select_n3A_71 = arith.select %select_n3A_69, %add3A_68, %select_n3A_70 : i32
      "tpu.trace_stop"() : () -> ()
      %scan3A = arith.constant 0 : i32
      %scan3A_72 = arith.constant 0 : i32
      %scan3A_73 = arith.constant 0 : i32
      %scan3A_74 = arith.constant 0 : i32
      %scan3A_75 = arith.constant 0 : i32
      %eq3A_76 = arith.constant 0 : i32
      %eq3A_77 = arith.cmpi eq, %scan3A_75, %eq3A_76 : i32
      %eq3A_78 = arith.constant 0 : i32
      %eq3A_79 = arith.cmpi eq, %scan3A_75, %eq3A_78 : i32
      %add3A_80 = arith.constant 0 : i32
      %add3A_81 = arith.addi %add3A_80, %mul3A_15 : i32
      %select_n3A_82 = arith.constant true
      %select_n3A_83 = arith.constant 0 : i32
      %select_n3A_84 = arith.constant -1 : i32
      %select_n3A_85 = arith.select %select_n3A_82, %select_n3A_84, %select_n3A_83 : i32
      %eq3A_86 = arith.constant -1 : i32
      %eq3A_87 = arith.cmpi eq, %select_n3A_85, %eq3A_86 : i32
      %select_n3A_88 = arith.constant 0 : i32
      %select_n3A_89 = arith.select %eq3A_87, %select_n3A_88, %select_n3A_85 : i32
      %add3A_90 = arith.constant 0 : i32
      %add3A_91 = arith.addi %add3A_90, %mul3A_15 : i32
      %select_n3A_92 = arith.constant true
      %select_n3A_93 = arith.constant 0 : i32
      %select_n3A_94 = arith.constant 1 : i32
      %select_n3A_95 = arith.select %select_n3A_92, %select_n3A_94, %select_n3A_93 : i32
      %eq3A_96 = arith.constant 1 : i32
      %eq3A_97 = arith.cmpi eq, %select_n3A_95, %eq3A_96 : i32
      %select_n3A_98 = arith.constant 0 : i32
      %select_n3A_99 = arith.select %eq3A_97, %select_n3A_98, %select_n3A_95 : i32
      %add3A_100 = arith.constant 0 : i32
      %add3A_101 = arith.addi %add3A_100, %mul3A_15 : i32
      %select_n3A_102 = arith.constant true
      %select_n3A_103 = arith.constant 0 : i32
      %select_n3A_104 = arith.constant 1 : i32
      %select_n3A_105 = arith.select %select_n3A_102, %select_n3A_104, %select_n3A_103 : i32
      %eq3A_106 = arith.constant 1 : i32
      %eq3A_107 = arith.cmpi eq, %select_n3A_105, %eq3A_106 : i32
      %select_n3A_108 = arith.constant 0 : i32
      %select_n3A_109 = arith.select %eq3A_107, %select_n3A_108, %select_n3A_105 : i32
      %add3A_110 = arith.constant 0 : i32
      %add3A_111 = arith.addi %add3A_110, %mul3A_15 : i32
      %ne3A = arith.cmpi ne, %add3A_81, %add3A_101 : i32
      %or3A = arith.constant false
      %or3A_112 = arith.ori %or3A, %ne3A : i1
      %ge3A = arith.constant 0 : i32
      %ge3A_113 = arith.cmpi sge, %scan3A_75, %ge3A : i32
      %not3A = arith.constant true
      %not3A_114 = arith.xori %ge3A_113, %not3A : i1
      %and3A = arith.andi %or3A_112, %not3A_114 : i1
      %convert_element_type3A = arith.extui %and3A : i1 to i32
      %cond3A = arith.constant 0 : i32
      %cond3A_115 = arith.cmpi ne, %convert_element_type3A, %cond3A : i32
      scf.if %cond3A_115 {
        "tpu.trace_start"() <{level = 10 : i32, message = "ep_copy_in"}> : () -> ()
        %rem3A_275 = arith.constant 2 : i32
        %rem3A_276 = arith.remui %select_n3A_71, %rem3A_275 : i32
        %mul3A_277 = arith.constant 128 : i32
        %mul3A_278 = arith.muli %mul3A_277, %add3A_101 : i32
        %dma_start3A_279 = arith.constant 0 : i32
        %dma_start3A_280 = arith.constant 0 : i32
        %dma_start3A_281 = tpu.memref_slice %run_scoped3A[%rem3A_276, %dma_start3A_279, %dma_start3A_280] : memref<2x1x128xi32, #tpu.memory_space<vmem>> -> memref<1x1x128xi32, #tpu.memory_space<vmem>>
        %dma_start3A_282 = tpu.memref_squeeze %dma_start3A_281 : memref<1x1x128xi32, #tpu.memory_space<vmem>> -> memref<1x128xi32, #tpu.memory_space<vmem>>
        %dma_start3A_283 = arith.constant 0 : i32
        %dma_start3A_284 = tpu.memref_slice %arg7[%dma_start3A_283, %mul3A_278] : memref<1x4096xi32, #tpu.memory_space<hbm>> -> memref<1x128xi32, #tpu.memory_space<hbm>>
        %dma_start3A_285 = tpu.memref_slice %run_scoped3A_16[%rem3A_276] : memref<2x!tpu.dma_semaphore, #tpu.memory_space<semaphore_mem>> -> memref<1x!tpu.dma_semaphore, #tpu.memory_space<semaphore_mem>>
        %dma_start3A_286 = tpu.memref_squeeze %dma_start3A_285 : memref<1x!tpu.dma_semaphore, #tpu.memory_space<semaphore_mem>> -> memref<!tpu.dma_semaphore, #tpu.memory_space<semaphore_mem>>
        %dma_start3A_287 = arith.constant 0 : i32
        %dma_start3A_288 = arith.constant 0 : i32
        %dma_start3A_289 = tpu.memref_slice %run_scoped3A[%rem3A_276, %dma_start3A_287, %dma_start3A_288] : memref<2x1x128xi32, #tpu.memory_space<vmem>> -> memref<1x1x128xi32, #tpu.memory_space<vmem>>
        %dma_start3A_290 = tpu.memref_squeeze %dma_start3A_289 : memref<1x1x128xi32, #tpu.memory_space<vmem>> -> memref<1x128xi32, #tpu.memory_space<vmem>>
        %dma_start3A_291 = arith.constant 0 : i32
        %dma_start3A_292 = tpu.memref_slice %arg7[%dma_start3A_291, %mul3A_278] : memref<1x4096xi32, #tpu.memory_space<hbm>> -> memref<1x128xi32, #tpu.memory_space<hbm>>
        tpu.enqueue_dma source(%dma_start3A_292 : memref<1x128xi32, #tpu.memory_space<hbm>>) target(%dma_start3A_290 : memref<1x128xi32, #tpu.memory_space<vmem>>) target_semaphore(%dma_start3A_286 : memref<!tpu.dma_semaphore, #tpu.memory_space<semaphore_mem>>)
        "tpu.trace_stop"() : () -> ()
      } else {
      }
      %and3A_116 = arith.constant true
      %and3A_117 = arith.andi %and3A, %and3A_116 : i1
      %add3A_118 = arith.constant 1 : i32
      %add3A_119 = arith.addi %select_n3A_71, %add3A_118 : i32
      %select_n3A_120 = arith.select %and3A_117, %add3A_119, %select_n3A_71 : i32
      %ne3A_121 = arith.cmpi ne, %add3A_81, %add3A_101 : i32
      %or3A_122 = arith.constant false
      %or3A_123 = arith.ori %or3A_122, %ne3A_121 : i1
      %or3A_124 = arith.constant false
      %or3A_125 = arith.ori %or3A_123, %or3A_124 : i1
      %ge3A_126 = arith.constant 0 : i32
      %ge3A_127 = arith.cmpi sge, %scan3A_75, %ge3A_126 : i32
      %not3A_128 = arith.constant true
      %not3A_129 = arith.xori %ge3A_127, %not3A_128 : i1
      %and3A_130 = arith.andi %or3A_125, %not3A_129 : i1
      %ne3A_131 = arith.cmpi ne, %add3A_81, %add3A_91 : i32
      %or3A_132 = arith.constant false
      %or3A_133 = arith.ori %or3A_132, %ne3A_131 : i1
      %or3A_134 = arith.ori %or3A_133, %eq3A_77 : i1
      %convert_element_type3A_135 = arith.extui %or3A_134 : i1 to i32
      %cond3A_136 = arith.constant 0 : i32
      %cond3A_137 = arith.cmpi ne, %convert_element_type3A_135, %cond3A_136 : i32
      scf.if %cond3A_137 {
        "tpu.trace_start"() <{level = 10 : i32, message = "ep_wait_in"}> : () -> ()
        %mul3A_275 = arith.constant 128 : i32
        %mul3A_276 = arith.muli %mul3A_275, %add3A_81 : i32
        %rem3A_277 = arith.constant 2 : i32
        %rem3A_278 = arith.remui %scan3A, %rem3A_277 : i32
        %dma_wait3A_279 = arith.constant 0 : i32
        %dma_wait3A_280 = arith.constant 0 : i32
        %dma_wait3A_281 = tpu.memref_slice %run_scoped3A[%rem3A_278, %dma_wait3A_279, %dma_wait3A_280] : memref<2x1x128xi32, #tpu.memory_space<vmem>> -> memref<1x1x128xi32, #tpu.memory_space<vmem>>
        %dma_wait3A_282 = tpu.memref_squeeze %dma_wait3A_281 : memref<1x1x128xi32, #tpu.memory_space<vmem>> -> memref<1x128xi32, #tpu.memory_space<vmem>>
        %dma_wait3A_283 = arith.constant 0 : i32
        %dma_wait3A_284 = tpu.memref_slice %arg7[%dma_wait3A_283, %mul3A_276] : memref<1x4096xi32, #tpu.memory_space<hbm>> -> memref<1x128xi32, #tpu.memory_space<hbm>>
        %dma_wait3A_285 = tpu.memref_slice %run_scoped3A_16[%rem3A_278] : memref<2x!tpu.dma_semaphore, #tpu.memory_space<semaphore_mem>> -> memref<1x!tpu.dma_semaphore, #tpu.memory_space<semaphore_mem>>
        %dma_wait3A_286 = tpu.memref_squeeze %dma_wait3A_285 : memref<1x!tpu.dma_semaphore, #tpu.memory_space<semaphore_mem>> -> memref<!tpu.dma_semaphore, #tpu.memory_space<semaphore_mem>>
        %dma_wait3A_287 = arith.constant 0 : i32
        %dma_wait3A_288 = arith.constant 0 : i32
        %dma_wait3A_289 = tpu.memref_slice %run_scoped3A[%rem3A_278, %dma_wait3A_287, %dma_wait3A_288] : memref<2x1x128xi32, #tpu.memory_space<vmem>> -> memref<1x1x128xi32, #tpu.memory_space<vmem>>
        %dma_wait3A_290 = tpu.memref_squeeze %dma_wait3A_289 : memref<1x1x128xi32, #tpu.memory_space<vmem>> -> memref<1x128xi32, #tpu.memory_space<vmem>>
        %dma_wait3A_291 = arith.constant 0 : i32
        %dma_wait3A_292 = tpu.memref_slice %arg7[%dma_wait3A_291, %mul3A_276] : memref<1x4096xi32, #tpu.memory_space<hbm>> -> memref<1x128xi32, #tpu.memory_space<hbm>>
        tpu.wait_dma2 semaphore(%dma_wait3A_286 : memref<!tpu.dma_semaphore, #tpu.memory_space<semaphore_mem>>) src(%dma_wait3A_292 : memref<1x128xi32, #tpu.memory_space<hbm>>) dst(%dma_wait3A_290 : memref<1x128xi32, #tpu.memory_space<vmem>>)
        "tpu.trace_stop"() : () -> ()
      } else {
      }
      %ne3A_138 = arith.cmpi ne, %add3A_81, %add3A_91 : i32
      %or3A_139 = arith.constant false
      %or3A_140 = arith.ori %or3A_139, %ne3A_138 : i1
      %or3A_141 = arith.constant false
      %or3A_142 = arith.ori %or3A_140, %or3A_141 : i1
      %or3A_143 = arith.ori %or3A_142, %eq3A_77 : i1
      %convert_element_type3A_144 = arith.extui %or3A_143 : i1 to i32
      %cond3A_145 = arith.constant 0 : i32
      %cond3A_146 = arith.cmpi ne, %convert_element_type3A_144, %cond3A_145 : i32
      scf.if %cond3A_146 {
      } else {
      }
      %rem3A_147 = arith.constant 2 : i32
      %rem3A_148 = arith.remui %scan3A, %rem3A_147 : i32
      %rem3A_149 = arith.constant 2 : i32
      %rem3A_150 = arith.remui %scan3A_72, %rem3A_149 : i32
      %run_scoped3A_151 = arith.constant 0 : i32
      "tpu.trace_start"() <{level = 10 : i32, message = "ep_run_kernel"}> : () -> ()
      "tpu.region"() ({
        %run_scoped3A_275 = tpu.sem_alloc : memref<!tpu.dma_semaphore, #tpu.memory_space<semaphore_mem>>
        %dma_start3A_276 = arith.constant 0 : i32
        %dma_start3A_277 = arith.constant 0 : i32
        %dma_start3A_278 = tpu.memref_slice %run_scoped3A_17[%rem3A_150, %dma_start3A_276, %dma_start3A_277] : memref<2x128x64xf32, #tpu.memory_space<vmem>> -> memref<1x128x64xf32, #tpu.memory_space<vmem>>
        %dma_start3A_279 = tpu.memref_squeeze %dma_start3A_278 : memref<1x128x64xf32, #tpu.memory_space<vmem>> -> memref<128x64xf32, #tpu.memory_space<vmem>>
        %dma_start3A_280 = arith.constant 0 : i32
        %dma_start3A_281 = arith.constant 0 : i32
        %dma_start3A_282 = tpu.memref_slice %run_scoped3A[%rem3A_148, %dma_start3A_280, %dma_start3A_281] : memref<2x1x128xi32, #tpu.memory_space<vmem>> -> memref<1x1x128xi32, #tpu.memory_space<vmem>>
        %dma_start3A_283 = tpu.memref_squeeze %dma_start3A_282 : memref<1x1x128xi32, #tpu.memory_space<vmem>> -> memref<1x128xi32, #tpu.memory_space<vmem>>
        %dma_start3A_284 = arith.constant 0 : i32
        %dma_start3A_285 = tpu.memref_slice %dma_start3A_283[%run_scoped3A_151, %dma_start3A_284] : memref<1x128xi32, #tpu.memory_space<vmem>> -> memref<1x128xi32, #tpu.memory_space<vmem>>
        %dma_start3A_286 = tpu.memref_squeeze %dma_start3A_285 : memref<1x128xi32, #tpu.memory_space<vmem>> -> memref<128xi32, #tpu.memory_space<vmem>>
        %dma_start3A_287 = arith.constant 0 : i32
        %dma_start3A_288 = arith.constant 0 : i32
        %dma_start3A_289 = tpu.memref_slice %arg4[%dma_start3A_287, %dma_start3A_288] : memref<100000x64xf32, #tpu.memory_space<hbm>> -> memref<100000x64xf32, #tpu.memory_space<hbm>>
        tpu.enqueue_indirect_dma source(%dma_start3A_289 : memref<100000x64xf32, #tpu.memory_space<hbm>>) target(%dma_start3A_279 : memref<128x64xf32, #tpu.memory_space<vmem>>) offsets(%dma_start3A_286 : memref<128xi32, #tpu.memory_space<vmem>>) semaphore(%run_scoped3A_275 : memref<!tpu.dma_semaphore, #tpu.memory_space<semaphore_mem>>)
        %dma_wait3A_290 = arith.constant 0 : i32
        %dma_wait3A_291 = arith.constant 0 : i32
        %dma_wait3A_292 = tpu.memref_slice %run_scoped3A_17[%rem3A_150, %dma_wait3A_290, %dma_wait3A_291] : memref<2x128x64xf32, #tpu.memory_space<vmem>> -> memref<1x128x64xf32, #tpu.memory_space<vmem>>
        %dma_wait3A_293 = tpu.memref_squeeze %dma_wait3A_292 : memref<1x128x64xf32, #tpu.memory_space<vmem>> -> memref<128x64xf32, #tpu.memory_space<vmem>>
        %dma_wait3A_294 = arith.constant 0 : i32
        %dma_wait3A_295 = arith.constant 0 : i32
        %dma_wait3A_296 = tpu.memref_slice %run_scoped3A[%rem3A_148, %dma_wait3A_294, %dma_wait3A_295] : memref<2x1x128xi32, #tpu.memory_space<vmem>> -> memref<1x1x128xi32, #tpu.memory_space<vmem>>
        %dma_wait3A_297 = tpu.memref_squeeze %dma_wait3A_296 : memref<1x1x128xi32, #tpu.memory_space<vmem>> -> memref<1x128xi32, #tpu.memory_space<vmem>>
        %dma_wait3A_298 = arith.constant 0 : i32
        %dma_wait3A_299 = tpu.memref_slice %dma_wait3A_297[%run_scoped3A_151, %dma_wait3A_298] : memref<1x128xi32, #tpu.memory_space<vmem>> -> memref<1x128xi32, #tpu.memory_space<vmem>>
        %dma_wait3A_300 = tpu.memref_squeeze %dma_wait3A_299 : memref<1x128xi32, #tpu.memory_space<vmem>> -> memref<128xi32, #tpu.memory_space<vmem>>
        %dma_wait3A_301 = arith.constant 0 : i32
        %dma_wait3A_302 = arith.constant 0 : i32
        %dma_wait3A_303 = tpu.memref_slice %arg4[%dma_wait3A_301, %dma_wait3A_302] : memref<100000x64xf32, #tpu.memory_space<hbm>> -> memref<100000x64xf32, #tpu.memory_space<hbm>>
        tpu.wait_indirect_dma semaphore(%run_scoped3A_275 : memref<!tpu.dma_semaphore, #tpu.memory_space<semaphore_mem>>) src(%dma_wait3A_303 : memref<100000x64xf32, #tpu.memory_space<hbm>>) dst(%dma_wait3A_293 : memref<128x64xf32, #tpu.memory_space<vmem>>)
        tpu.yield
      }) : () -> ()
      "tpu.trace_stop"() : () -> ()
      %ne3A_152 = arith.cmpi ne, %add3A_81, %add3A_101 : i32
      %or3A_153 = arith.constant false
      %or3A_154 = arith.ori %or3A_153, %ne3A_152 : i1
      %or3A_155 = arith.ori %or3A_154, %eq3A_79 : i1
      %convert_element_type3A_156 = arith.extui %or3A_155 : i1 to i32
      %cond3A_157 = arith.constant 0 : i32
      %cond3A_158 = arith.cmpi ne, %convert_element_type3A_156, %cond3A_157 : i32
      scf.if %cond3A_158 {
      } else {
      }
      %and3A_159 = arith.constant false
      %and3A_160 = arith.andi %or3A_155, %and3A_159 : i1
      %ne3A_161 = arith.cmpi ne, %add3A_81, %add3A_101 : i32
      %or3A_162 = arith.constant false
      %or3A_163 = arith.ori %or3A_162, %ne3A_161 : i1
      %or3A_164 = arith.constant false
      %or3A_165 = arith.ori %or3A_163, %or3A_164 : i1
      %or3A_166 = arith.ori %or3A_165, %eq3A_79 : i1
      %convert_element_type3A_167 = arith.extui %or3A_166 : i1 to i32
      %cond3A_168 = arith.constant 0 : i32
      %cond3A_169 = arith.cmpi ne, %convert_element_type3A_167, %cond3A_168 : i32
      scf.if %cond3A_169 {
        "tpu.trace_start"() <{level = 10 : i32, message = "ep_copy_out"}> : () -> ()
        %rem3A_275 = arith.constant 2 : i32
        %rem3A_276 = arith.remui %scan3A_72, %rem3A_275 : i32
        %mul3A_277 = arith.constant 128 : i32
        %mul3A_278 = arith.muli %mul3A_277, %add3A_81 : i32
        %dma_start3A_279 = arith.constant 0 : i32
        %dma_start3A_280 = arith.constant 0 : i32
        %dma_start3A_281 = tpu.memref_slice %run_scoped3A_17[%rem3A_276, %dma_start3A_279, %dma_start3A_280] : memref<2x128x64xf32, #tpu.memory_space<vmem>> -> memref<1x128x64xf32, #tpu.memory_space<vmem>>
        %dma_start3A_282 = tpu.memref_squeeze %dma_start3A_281 : memref<1x128x64xf32, #tpu.memory_space<vmem>> -> memref<128x64xf32, #tpu.memory_space<vmem>>
        %dma_start3A_283 = arith.constant 0 : i32
        %dma_start3A_284 = tpu.memref_slice %arg10[%mul3A_278, %dma_start3A_283] : memref<4096x64xf32, #tpu.memory_space<hbm>> -> memref<128x64xf32, #tpu.memory_space<hbm>>
        %dma_start3A_285 = tpu.memref_slice %run_scoped3A_18[%rem3A_276] : memref<2x!tpu.dma_semaphore, #tpu.memory_space<semaphore_mem>> -> memref<1x!tpu.dma_semaphore, #tpu.memory_space<semaphore_mem>>
        %dma_start3A_286 = tpu.memref_squeeze %dma_start3A_285 : memref<1x!tpu.dma_semaphore, #tpu.memory_space<semaphore_mem>> -> memref<!tpu.dma_semaphore, #tpu.memory_space<semaphore_mem>>
        %dma_start3A_287 = arith.constant 0 : i32
        %dma_start3A_288 = tpu.memref_slice %arg10[%mul3A_278, %dma_start3A_287] : memref<4096x64xf32, #tpu.memory_space<hbm>> -> memref<128x64xf32, #tpu.memory_space<hbm>>
        %dma_start3A_289 = arith.constant 0 : i32
        %dma_start3A_290 = arith.constant 0 : i32
        %dma_start3A_291 = tpu.memref_slice %run_scoped3A_17[%rem3A_276, %dma_start3A_289, %dma_start3A_290] : memref<2x128x64xf32, #tpu.memory_space<vmem>> -> memref<1x128x64xf32, #tpu.memory_space<vmem>>
        %dma_start3A_292 = tpu.memref_squeeze %dma_start3A_291 : memref<1x128x64xf32, #tpu.memory_space<vmem>> -> memref<128x64xf32, #tpu.memory_space<vmem>>
        tpu.enqueue_dma source(%dma_start3A_292 : memref<128x64xf32, #tpu.memory_space<vmem>>) target(%dma_start3A_288 : memref<128x64xf32, #tpu.memory_space<hbm>>) target_semaphore(%dma_start3A_286 : memref<!tpu.dma_semaphore, #tpu.memory_space<semaphore_mem>>)
        "tpu.trace_stop"() : () -> ()
      } else {
      }
      %and3A_170 = arith.constant true
      %and3A_171 = arith.andi %or3A_166, %and3A_170 : i1
      %add3A_172 = arith.constant 1 : i32
      %add3A_173 = arith.addi %scan3A_72, %add3A_172 : i32
      %select_n3A_174 = arith.select %and3A_171, %add3A_173, %scan3A_72 : i32
      %ne3A_175 = arith.cmpi ne, %add3A_81, %add3A_91 : i32
      %or3A_176 = arith.constant false
      %or3A_177 = arith.ori %or3A_176, %ne3A_175 : i1
      %not3A_178 = arith.constant true
      %not3A_179 = arith.xori %eq3A_77, %not3A_178 : i1
      %and3A_180 = arith.andi %or3A_177, %not3A_179 : i1
      %convert_element_type3A_181 = arith.extui %and3A_180 : i1 to i32
      %cond3A_182 = arith.constant 0 : i32
      %cond3A_183 = arith.cmpi ne, %convert_element_type3A_181, %cond3A_182 : i32
      scf.if %cond3A_183 {
      } else {
      }
      %and3A_184 = arith.constant false
      %and3A_185 = arith.andi %and3A_180, %and3A_184 : i1
      %ne3A_186 = arith.cmpi ne, %add3A_81, %add3A_91 : i32
      %or3A_187 = arith.constant false
      %or3A_188 = arith.ori %or3A_187, %ne3A_186 : i1
      %or3A_189 = arith.constant false
      %or3A_190 = arith.ori %or3A_188, %or3A_189 : i1
      %not3A_191 = arith.constant true
      %not3A_192 = arith.xori %eq3A_77, %not3A_191 : i1
      %and3A_193 = arith.andi %or3A_190, %not3A_192 : i1
      %convert_element_type3A_194 = arith.extui %and3A_193 : i1 to i32
      %cond3A_195 = arith.constant 0 : i32
      %cond3A_196 = arith.cmpi ne, %convert_element_type3A_194, %cond3A_195 : i32
      scf.if %cond3A_196 {
        "tpu.trace_start"() <{level = 10 : i32, message = "ep_wait_out"}> : () -> ()
        %rem3A_275 = arith.constant 2 : i32
        %rem3A_276 = arith.remui %scan3A_73, %rem3A_275 : i32
        %mul3A_277 = arith.constant 128 : i32
        %mul3A_278 = arith.muli %mul3A_277, %add3A_91 : i32
        %dma_wait3A_279 = arith.constant 0 : i32
        %dma_wait3A_280 = arith.constant 0 : i32
        %dma_wait3A_281 = tpu.memref_slice %run_scoped3A_17[%rem3A_276, %dma_wait3A_279, %dma_wait3A_280] : memref<2x128x64xf32, #tpu.memory_space<vmem>> -> memref<1x128x64xf32, #tpu.memory_space<vmem>>
        %dma_wait3A_282 = tpu.memref_squeeze %dma_wait3A_281 : memref<1x128x64xf32, #tpu.memory_space<vmem>> -> memref<128x64xf32, #tpu.memory_space<vmem>>
        %dma_wait3A_283 = arith.constant 0 : i32
        %dma_wait3A_284 = tpu.memref_slice %arg10[%mul3A_278, %dma_wait3A_283] : memref<4096x64xf32, #tpu.memory_space<hbm>> -> memref<128x64xf32, #tpu.memory_space<hbm>>
        %dma_wait3A_285 = tpu.memref_slice %run_scoped3A_18[%rem3A_276] : memref<2x!tpu.dma_semaphore, #tpu.memory_space<semaphore_mem>> -> memref<1x!tpu.dma_semaphore, #tpu.memory_space<semaphore_mem>>
        %dma_wait3A_286 = tpu.memref_squeeze %dma_wait3A_285 : memref<1x!tpu.dma_semaphore, #tpu.memory_space<semaphore_mem>> -> memref<!tpu.dma_semaphore, #tpu.memory_space<semaphore_mem>>
        %dma_wait3A_287 = arith.constant 0 : i32
        %dma_wait3A_288 = tpu.memref_slice %arg10[%mul3A_278, %dma_wait3A_287] : memref<4096x64xf32, #tpu.memory_space<hbm>> -> memref<128x64xf32, #tpu.memory_space<hbm>>
        %dma_wait3A_289 = arith.constant 0 : i32
        %dma_wait3A_290 = arith.constant 0 : i32
        %dma_wait3A_291 = tpu.memref_slice %run_scoped3A_17[%rem3A_276, %dma_wait3A_289, %dma_wait3A_290] : memref<2x128x64xf32, #tpu.memory_space<vmem>> -> memref<1x128x64xf32, #tpu.memory_space<vmem>>
        %dma_wait3A_292 = tpu.memref_squeeze %dma_wait3A_291 : memref<1x128x64xf32, #tpu.memory_space<vmem>> -> memref<128x64xf32, #tpu.memory_space<vmem>>
        tpu.wait_dma2 semaphore(%dma_wait3A_286 : memref<!tpu.dma_semaphore, #tpu.memory_space<semaphore_mem>>) src(%dma_wait3A_292 : memref<128x64xf32, #tpu.memory_space<vmem>>) dst(%dma_wait3A_288 : memref<128x64xf32, #tpu.memory_space<hbm>>)
        "tpu.trace_stop"() : () -> ()
      } else {
      }
      %and3A_197 = arith.constant true
      %and3A_198 = arith.andi %and3A_193, %and3A_197 : i1
      %add3A_199 = arith.constant 1 : i32
      %add3A_200 = arith.addi %scan3A_73, %add3A_199 : i32
      %select_n3A_201 = arith.select %and3A_198, %add3A_200, %scan3A_73 : i32
      %ne3A_202 = arith.cmpi ne, %add3A_81, %add3A_101 : i32
      %or3A_203 = arith.constant false
      %or3A_204 = arith.ori %or3A_203, %ne3A_202 : i1
      %or3A_205 = arith.ori %or3A_204, %eq3A_79 : i1
      %add3A_206 = arith.constant 1 : i32
      %add3A_207 = arith.addi %scan3A, %add3A_206 : i32
      %select_n3A_208 = arith.select %or3A_205, %add3A_207, %scan3A : i32
      %select_n3A_209 = arith.constant true
      %select_n3A_210 = arith.constant 0 : i32
      %select_n3A_211 = arith.constant 1 : i32
      %select_n3A_212 = arith.select %select_n3A_209, %select_n3A_211, %select_n3A_210 : i32
      %eq3A_213 = arith.constant 1 : i32
      %eq3A_214 = arith.cmpi eq, %select_n3A_212, %eq3A_213 : i32
      %select_n3A_215 = arith.constant 0 : i32
      %select_n3A_216 = arith.select %eq3A_214, %select_n3A_215, %select_n3A_212 : i32
      %scan3A_217 = arith.constant 0 : i32
      %scan3A_218 = arith.constant 1 : i32
      %sub3A = arith.constant 1 : i32
      %sub3A_219 = arith.subi %scan3A_217, %sub3A : i32
      %select_n3A_220 = arith.constant true
      %select_n3A_221 = arith.select %select_n3A_220, %sub3A_219, %scan3A_217 : i32
      %eq3A_222 = arith.constant -1 : i32
      %eq3A_223 = arith.cmpi eq, %select_n3A_221, %eq3A_222 : i32
      %select_n3A_224 = arith.constant 0 : i32
      %select_n3A_225 = arith.select %eq3A_223, %select_n3A_224, %select_n3A_221 : i32
      %add3A_226 = arith.constant 0 : i32
      %add3A_227 = arith.addi %add3A_226, %mul3A_15 : i32
      %select_n3A_228 = arith.constant true
      %select_n3A_229 = arith.constant 0 : i32
      %select_n3A_230 = arith.constant -1 : i32
      %select_n3A_231 = arith.select %select_n3A_228, %select_n3A_230, %select_n3A_229 : i32
      %eq3A_232 = arith.constant -1 : i32
      %eq3A_233 = arith.cmpi eq, %select_n3A_231, %eq3A_232 : i32
      %select_n3A_234 = arith.constant 0 : i32
      %select_n3A_235 = arith.select %eq3A_233, %select_n3A_234, %select_n3A_231 : i32
      %add3A_236 = arith.constant 0 : i32
      %add3A_237 = arith.addi %add3A_236, %mul3A_15 : i32
      %select_n3A_238 = arith.constant true
      %select_n3A_239 = arith.constant 0 : i32
      %select_n3A_240 = arith.constant 1 : i32
      %select_n3A_241 = arith.select %select_n3A_238, %select_n3A_240, %select_n3A_239 : i32
      %eq3A_242 = arith.constant 1 : i32
      %eq3A_243 = arith.cmpi eq, %select_n3A_241, %eq3A_242 : i32
      %select_n3A_244 = arith.constant 0 : i32
      %select_n3A_245 = arith.select %eq3A_243, %select_n3A_244, %select_n3A_241 : i32
      %add3A_246 = arith.constant 0 : i32
      %add3A_247 = arith.addi %add3A_246, %mul3A_15 : i32
      %select_n3A_248 = arith.constant true
      %select_n3A_249 = arith.constant 0 : i32
      %select_n3A_250 = arith.constant 1 : i32
      %select_n3A_251 = arith.select %select_n3A_248, %select_n3A_250, %select_n3A_249 : i32
      %eq3A_252 = arith.constant 1 : i32
      %eq3A_253 = arith.cmpi eq, %select_n3A_251, %eq3A_252 : i32
      %select_n3A_254 = arith.constant 0 : i32
      %select_n3A_255 = arith.select %eq3A_253, %select_n3A_254, %select_n3A_251 : i32
      %add3A_256 = arith.constant 0 : i32
      %add3A_257 = arith.addi %add3A_256, %mul3A_15 : i32
      "tpu.trace_start"() <{level = 10 : i32, message = "ep_finalize"}> : () -> ()
      %rem3A_258 = arith.constant 2 : i32
      %rem3A_259 = arith.remui %select_n3A_201, %rem3A_258 : i32
      %mul3A_260 = arith.constant 128 : i32
      %mul3A_261 = arith.muli %mul3A_260, %add3A_227 : i32
      %dma_wait3A = arith.constant 0 : i32
      %dma_wait3A_262 = arith.constant 0 : i32
      %dma_wait3A_263 = tpu.memref_slice %run_scoped3A_17[%rem3A_259, %dma_wait3A, %dma_wait3A_262] : memref<2x128x64xf32, #tpu.memory_space<vmem>> -> memref<1x128x64xf32, #tpu.memory_space<vmem>>
      %dma_wait3A_264 = tpu.memref_squeeze %dma_wait3A_263 : memref<1x128x64xf32, #tpu.memory_space<vmem>> -> memref<128x64xf32, #tpu.memory_space<vmem>>
      %dma_wait3A_265 = arith.constant 0 : i32
      %dma_wait3A_266 = tpu.memref_slice %arg10[%mul3A_261, %dma_wait3A_265] : memref<4096x64xf32, #tpu.memory_space<hbm>> -> memref<128x64xf32, #tpu.memory_space<hbm>>
      %dma_wait3A_267 = tpu.memref_slice %run_scoped3A_18[%rem3A_259] : memref<2x!tpu.dma_semaphore, #tpu.memory_space<semaphore_mem>> -> memref<1x!tpu.dma_semaphore, #tpu.memory_space<semaphore_mem>>
      %dma_wait3A_268 = tpu.memref_squeeze %dma_wait3A_267 : memref<1x!tpu.dma_semaphore, #tpu.memory_space<semaphore_mem>> -> memref<!tpu.dma_semaphore, #tpu.memory_space<semaphore_mem>>
      %dma_wait3A_269 = arith.constant 0 : i32
      %dma_wait3A_270 = tpu.memref_slice %arg10[%mul3A_261, %dma_wait3A_269] : memref<4096x64xf32, #tpu.memory_space<hbm>> -> memref<128x64xf32, #tpu.memory_space<hbm>>
      %dma_wait3A_271 = arith.constant 0 : i32
      %dma_wait3A_272 = arith.constant 0 : i32
      %dma_wait3A_273 = tpu.memref_slice %run_scoped3A_17[%rem3A_259, %dma_wait3A_271, %dma_wait3A_272] : memref<2x128x64xf32, #tpu.memory_space<vmem>> -> memref<1x128x64xf32, #tpu.memory_space<vmem>>
      %dma_wait3A_274 = tpu.memref_squeeze %dma_wait3A_273 : memref<1x128x64xf32, #tpu.memory_space<vmem>> -> memref<128x64xf32, #tpu.memory_space<vmem>>
      tpu.wait_dma2 semaphore(%dma_wait3A_268 : memref<!tpu.dma_semaphore, #tpu.memory_space<semaphore_mem>>) src(%dma_wait3A_274 : memref<128x64xf32, #tpu.memory_space<vmem>>) dst(%dma_wait3A_270 : memref<128x64xf32, #tpu.memory_space<hbm>>)
      "tpu.trace_stop"() : () -> ()
      tpu.yield
    }) : () -> ()
    return
  }
}

module attributes {stable_mosaic.version = 14 : i64} {
  func.func @_tc_body(%arg0: i32, %arg1: i32, %arg2: memref<1x512x64xf32, #tpu.memory_space<vmem>>, %arg3: memref<512x64xf32, #tpu.memory_space<vmem>>, %arg4: memref<512x50x64xf32, #tpu.memory_space<vmem>>, %arg5: memref<512x50xf32, #tpu.memory_space<vmem>>, %arg6: memref<64x64xf32, #tpu.memory_space<vmem>>, %arg7: memref<64x64xf32, #tpu.memory_space<vmem>>, %arg8: memref<1x64xf32, #tpu.memory_space<vmem>>, %arg9: memref<1x64xf32, #tpu.memory_space<vmem>>, %arg10: memref<1x1x64xf32, #tpu.memory_space<vmem>>, %arg11: memref<512x50xf32, #tpu.memory_space<vmem>>, %arg12: memref<512x64xf32, #tpu.memory_space<vmem>>, %arg13: memref<512x64xf32, #tpu.memory_space<vmem>>, %arg14: memref<512x64xf32, #tpu.memory_space<vmem>>, %arg15: memref<512x1xf32, #tpu.memory_space<vmem>>) attributes {dimension_semantics = [#tpu.dimension_semantics<arbitrary>, #tpu.dimension_semantics<arbitrary>], iteration_bounds = array<i64: 8, 50>, scalar_prefetch = 0 : i64, scratch_operands = 4 : i64, tpu.core_type = #tpu.core_type<tc>, window_params = [{transform_indices = @transform_0, window_bounds = array<i64: 1, 512, 64>}, {transform_indices = @transform_1, window_bounds = array<i64: 512, 64>}, {transform_indices = @transform_2, window_bounds = array<i64: 512, 50, 64>}, {transform_indices = @transform_3, window_bounds = array<i64: 512, 50>}, {pipeline_mode = #tpu.pipeline_mode<synchronous>, transform_indices = @transform_4, window_bounds = array<i64: 64, 64>}, {pipeline_mode = #tpu.pipeline_mode<synchronous>, transform_indices = @transform_5, window_bounds = array<i64: 64, 64>}, {pipeline_mode = #tpu.pipeline_mode<synchronous>, transform_indices = @transform_6, window_bounds = array<i64: 1, 64>}, {pipeline_mode = #tpu.pipeline_mode<synchronous>, transform_indices = @transform_7, window_bounds = array<i64: 1, 64>}, {transform_indices = @transform_8, window_bounds = array<i64: 1, 1, 64>}, {transform_indices = @transform_9, window_bounds = array<i64: 512, 50>}]} {
    %get3A = arith.constant 0 : index
    %get3A_0 = arith.constant 0 : index
    %get3A_1 = arith.constant 0 : index
    %get3A_2 = vector.load %arg2[%get3A, %get3A_0, %get3A_1] : memref<1x512x64xf32, #tpu.memory_space<vmem>>, vector<1x512x64xf32>
    %get3A_3 = vector.shape_cast %get3A_2 : vector<1x512x64xf32> to vector<512x64xf32>
    %get3A_4 = arith.constant 0 : index
    %get3A_5 = arith.constant 0 : index
    %get3A_6 = vector.load %arg3[%get3A_4, %get3A_5] : memref<512x64xf32, #tpu.memory_space<vmem>>, vector<512x64xf32>
    %eq3A = arith.constant 0 : i32
    %eq3A_7 = arith.cmpi eq, %arg1, %eq3A : i32
    %convert_element_type3A = arith.extui %eq3A_7 : i1 to i32
    %cond3A = arith.constant 0 : i32
    %cond3A_8 = arith.cmpi ne, %convert_element_type3A, %cond3A : i32
    scf.if %cond3A_8 {
      %get3A_60 = arith.constant 0 : index
      %get3A_61 = arith.constant 0 : index
      %get3A_62 = vector.load %arg7[%get3A_60, %get3A_61] : memref<64x64xf32, #tpu.memory_space<vmem>>, vector<64x64xf32>
      %dot_general3A_63 = arith.constant dense<0.000000e+00> : vector<512x64xf32>
      %dot_general3A_64 = tpu.matmul %get3A_6, %get3A_62, %dot_general3A_63 {dimension_numbers = #tpu.dot_dimension_numbers<[1], [0], [0], [1], [0, 0, 1, 1], [], []>, transpose_lhs_hint = false} : vector<512x64xf32>, vector<64x64xf32>, vector<512x64xf32> -> vector<512x64xf32>
      %get3A_65 = arith.constant 0 : index
      %get3A_66 = arith.constant 0 : index
      %get3A_67 = vector.load %arg8[%get3A_65, %get3A_66] : memref<1x64xf32, #tpu.memory_space<vmem>>, vector<1x64xf32>
      %add3A_68 = vector.broadcast %get3A_67 : vector<1x64xf32> to vector<512x64xf32>
      %add3A_69 = arith.addf %dot_general3A_64, %add3A_68 : vector<512x64xf32>
      %swap3A = arith.constant 0 : index
      %swap3A_70 = arith.constant 0 : index
      %swap3A_71 = vector.load %arg12[%swap3A, %swap3A_70] : memref<512x64xf32, #tpu.memory_space<vmem>>, vector<512x64xf32>
      tpu.vector_store %arg12[%swap3A, %swap3A_70], %add3A_69 {strides = array<i32>} : memref<512x64xf32, #tpu.memory_space<vmem>>, vector<512x64xf32>,
    } else {
    }
    %get3A_9 = arith.constant 0 : index
    %get3A_10 = arith.constant 0 : index
    %get3A_11 = vector.load %arg6[%get3A_9, %get3A_10] : memref<64x64xf32, #tpu.memory_space<vmem>>, vector<64x64xf32>
    %dot_general3A = arith.constant dense<0.000000e+00> : vector<512x64xf32>
    %dot_general3A_12 = tpu.matmul %get3A_3, %get3A_11, %dot_general3A {dimension_numbers = #tpu.dot_dimension_numbers<[1], [0], [0], [1], [0, 0, 1, 1], [], []>, transpose_lhs_hint = false} : vector<512x64xf32>, vector<64x64xf32>, vector<512x64xf32> -> vector<512x64xf32>
    %get3A_13 = arith.constant 0 : index
    %get3A_14 = arith.constant 0 : index
    %get3A_15 = vector.load %arg12[%get3A_13, %get3A_14] : memref<512x64xf32, #tpu.memory_space<vmem>>, vector<512x64xf32>
    %add3A = arith.addf %dot_general3A_12, %get3A_15 : vector<512x64xf32>
    %logistic3A = arith.negf %add3A : vector<512x64xf32>
    %logistic3A_16 = math.exp %logistic3A : vector<512x64xf32>
    %logistic3A_17 = arith.constant 1.000000e+00 : f32
    %logistic3A_18 = vector.broadcast %logistic3A_17 : f32 to vector<512x64xf32>
    %logistic3A_19 = arith.addf %logistic3A_18, %logistic3A_16 : vector<512x64xf32>
    %logistic3A_20 = arith.divf %logistic3A_18, %logistic3A_19 : vector<512x64xf32>
    %mul3A = arith.mulf %get3A_3, %logistic3A_20 : vector<512x64xf32>
    %get3A_21 = arith.constant 0 : index
    %get3A_22 = arith.constant 0 : index
    %get3A_23 = vector.load %arg9[%get3A_21, %get3A_22] : memref<1x64xf32, #tpu.memory_space<vmem>>, vector<1x64xf32>
    %mul3A_24 = vector.broadcast %get3A_23 : vector<1x64xf32> to vector<512x64xf32>
    %mul3A_25 = arith.mulf %mul3A, %mul3A_24 : vector<512x64xf32>
    %reduce_sum3A = arith.constant dense<0.000000e+00> : vector<512xf32>
    %reduce_sum3A_26 = vector.multi_reduction <add>, %mul3A_25, %reduce_sum3A [1] : vector<512x64xf32> to vector<512xf32>
    %broadcast_in_dim3A = vector.shape_cast %reduce_sum3A_26 : vector<512xf32> to vector<512x1xf32>
    %get3A_27 = arith.constant 0 : index
    %get3A_28 = arith.constant 0 : index
    %get3A_29 = arith.constant 0 : index
    %get3A_30 = vector.load %arg10[%get3A_27, %get3A_28, %get3A_29] : memref<1x1x64xf32, #tpu.memory_space<vmem>>, vector<1x1x64xf32>
    %get3A_31 = vector.shape_cast %get3A_30 : vector<1x1x64xf32> to vector<1x64xf32>
    %mul3A_32 = vector.broadcast %get3A_31 : vector<1x64xf32> to vector<512x64xf32>
    %mul3A_33 = arith.mulf %get3A_6, %mul3A_32 : vector<512x64xf32>
    %reduce_sum3A_34 = arith.constant dense<0.000000e+00> : vector<512xf32>
    %reduce_sum3A_35 = vector.multi_reduction <add>, %mul3A_33, %reduce_sum3A_34 [1] : vector<512x64xf32> to vector<512xf32>
    %broadcast_in_dim3A_36 = vector.shape_cast %reduce_sum3A_35 : vector<512xf32> to vector<512x1xf32>
    %add3A_37 = arith.addf %broadcast_in_dim3A, %broadcast_in_dim3A_36 : vector<512x1xf32>
    %logistic3A_38 = arith.negf %add3A_37 : vector<512x1xf32>
    %logistic3A_39 = math.exp %logistic3A_38 : vector<512x1xf32>
    %logistic3A_40 = arith.constant 1.000000e+00 : f32
    %logistic3A_41 = vector.broadcast %logistic3A_40 : f32 to vector<512x1xf32>
    %logistic3A_42 = arith.addf %logistic3A_41, %logistic3A_39 : vector<512x1xf32>
    %logistic3A_43 = arith.divf %logistic3A_41, %logistic3A_42 : vector<512x1xf32>
    %mul3A_44 = vector.broadcast %logistic3A_43 : vector<512x1xf32> to vector<512x64xf32>
    %mul3A_45 = arith.mulf %mul3A, %mul3A_44 : vector<512x64xf32>
    %eq3A_46 = arith.constant 0 : i32
    %eq3A_47 = arith.cmpi eq, %arg1, %eq3A_46 : i32
    %convert_element_type3A_48 = arith.extui %eq3A_47 : i1 to i32
    %cond3A_49 = arith.constant 0 : i32
    %cond3A_50 = arith.cmpi ne, %convert_element_type3A_48, %cond3A_49 : i32
    scf.if %cond3A_50 {
      %swap3A = arith.constant 0 : index
      %swap3A_60 = arith.constant 0 : index
      %swap3A_61 = vector.load %arg13[%swap3A, %swap3A_60] : memref<512x64xf32, #tpu.memory_space<vmem>>, vector<512x64xf32>
      tpu.vector_store %arg13[%swap3A, %swap3A_60], %mul3A_45 {strides = array<i32>} : memref<512x64xf32, #tpu.memory_space<vmem>>, vector<512x64xf32>,
      %swap3A_62 = arith.constant 0 : index
      %swap3A_63 = arith.constant 0 : index
      %swap3A_64 = vector.load %arg14[%swap3A_62, %swap3A_63] : memref<512x64xf32, #tpu.memory_space<vmem>>, vector<512x64xf32>
      tpu.vector_store %arg14[%swap3A_62, %swap3A_63], %get3A_3 {strides = array<i32>} : memref<512x64xf32, #tpu.memory_space<vmem>>, vector<512x64xf32>,
      %swap3A_65 = arith.constant 0 : index
      %swap3A_66 = arith.constant 0 : index
      %swap3A_67 = vector.load %arg15[%swap3A_65, %swap3A_66] : memref<512x1xf32, #tpu.memory_space<vmem>>, vector<512x1xf32>
      tpu.vector_store %arg15[%swap3A_65, %swap3A_66], %logistic3A_43 {strides = array<i32>} : memref<512x1xf32, #tpu.memory_space<vmem>>, vector<512x1xf32>,
    } else {
    }
    %gt3A = arith.constant 0 : i32
    %gt3A_51 = arith.cmpi sgt, %arg1, %gt3A : i32
    %convert_element_type3A_52 = arith.extui %gt3A_51 : i1 to i32
    %cond3A_53 = arith.constant 0 : i32
    %cond3A_54 = arith.cmpi ne, %convert_element_type3A_52, %cond3A_53 : i32
    scf.if %cond3A_54 {
      %get3A_60 = arith.constant 0 : index
      %get3A_61 = arith.constant 0 : index
      %get3A_62 = vector.load %arg13[%get3A_60, %get3A_61] : memref<512x64xf32, #tpu.memory_space<vmem>>, vector<512x64xf32>
      %add3A_63 = arith.addf %get3A_62, %mul3A_45 : vector<512x64xf32>
      %swap3A = arith.constant 0 : index
      %swap3A_64 = arith.constant 0 : index
      %swap3A_65 = vector.load %arg13[%swap3A, %swap3A_64] : memref<512x64xf32, #tpu.memory_space<vmem>>, vector<512x64xf32>
      tpu.vector_store %arg13[%swap3A, %swap3A_64], %add3A_63 {strides = array<i32>} : memref<512x64xf32, #tpu.memory_space<vmem>>, vector<512x64xf32>,
      %get3A_66 = arith.constant 0 : index
      %get3A_67 = arith.constant 0 : index
      %get3A_68 = vector.load %arg14[%get3A_66, %get3A_67] : memref<512x64xf32, #tpu.memory_space<vmem>>, vector<512x64xf32>
      %add3A_69 = arith.addf %get3A_68, %get3A_3 : vector<512x64xf32>
      %swap3A_70 = arith.constant 0 : index
      %swap3A_71 = arith.constant 0 : index
      %swap3A_72 = vector.load %arg14[%swap3A_70, %swap3A_71] : memref<512x64xf32, #tpu.memory_space<vmem>>, vector<512x64xf32>
      tpu.vector_store %arg14[%swap3A_70, %swap3A_71], %add3A_69 {strides = array<i32>} : memref<512x64xf32, #tpu.memory_space<vmem>>, vector<512x64xf32>,
      %get3A_73 = arith.constant 0 : index
      %get3A_74 = arith.constant 0 : index
      %get3A_75 = vector.load %arg15[%get3A_73, %get3A_74] : memref<512x1xf32, #tpu.memory_space<vmem>>, vector<512x1xf32>
      %add3A_76 = arith.addf %get3A_75, %logistic3A_43 : vector<512x1xf32>
      %swap3A_77 = arith.constant 0 : index
      %swap3A_78 = arith.constant 0 : index
      %swap3A_79 = vector.load %arg15[%swap3A_77, %swap3A_78] : memref<512x1xf32, #tpu.memory_space<vmem>>, vector<512x1xf32>
      tpu.vector_store %arg15[%swap3A_77, %swap3A_78], %add3A_76 {strides = array<i32>} : memref<512x1xf32, #tpu.memory_space<vmem>>, vector<512x1xf32>,
    } else {
    }
    %eq3A_55 = arith.constant 49 : i32
    %eq3A_56 = arith.cmpi eq, %arg1, %eq3A_55 : i32
    %convert_element_type3A_57 = arith.extui %eq3A_56 : i1 to i32
    %cond3A_58 = arith.constant 0 : i32
    %cond3A_59 = arith.cmpi ne, %convert_element_type3A_57, %cond3A_58 : i32
    scf.if %cond3A_59 {
      %get3A_60 = arith.constant 0 : index
      %get3A_61 = arith.constant 0 : index
      %get3A_62 = vector.load %arg13[%get3A_60, %get3A_61] : memref<512x64xf32, #tpu.memory_space<vmem>>, vector<512x64xf32>
      %get3A_63 = arith.constant 0 : index
      %get3A_64 = arith.constant 0 : index
      %get3A_65 = vector.load %arg15[%get3A_63, %get3A_64] : memref<512x1xf32, #tpu.memory_space<vmem>>, vector<512x1xf32>
      %div3A = vector.broadcast %get3A_65 : vector<512x1xf32> to vector<512x64xf32>
      %div3A_66 = arith.divf %get3A_62, %div3A : vector<512x64xf32>
      %add3A_67 = arith.addf %get3A_6, %div3A_66 : vector<512x64xf32>
      %get3A_68 = arith.constant 0 : index
      %get3A_69 = arith.constant 0 : index
      %get3A_70 = vector.load %arg14[%get3A_68, %get3A_69] : memref<512x64xf32, #tpu.memory_space<vmem>>, vector<512x64xf32>
      %add3A_71 = arith.addf %add3A_67, %get3A_70 : vector<512x64xf32>
      %get3A_72 = arith.constant 0 : index
      %get3A_73 = arith.constant 0 : index
      %get3A_74 = vector.load %arg5[%get3A_72, %get3A_73] : memref<512x50xf32, #tpu.memory_space<vmem>>, vector<512x50xf32>
      %get3A_75 = arith.constant 0 : index
      %get3A_76 = arith.constant 0 : index
      %get3A_77 = arith.constant 0 : index
      %get3A_78 = vector.load %arg4[%get3A_75, %get3A_76, %get3A_77] : memref<512x50x64xf32, #tpu.memory_space<vmem>>, vector<512x50x64xf32>
      %broadcast_in_dim3A_79 = vector.shape_cast %add3A_71 : vector<512x64xf32> to vector<512x1x64xf32>
      %mul3A_80 = vector.broadcast %broadcast_in_dim3A_79 : vector<512x1x64xf32> to vector<512x50x64xf32>
      %mul3A_81 = arith.mulf %get3A_78, %mul3A_80 : vector<512x50x64xf32>
      %reduce_sum3A_82 = arith.constant dense<0.000000e+00> : vector<512x50xf32>
      %reduce_sum3A_83 = vector.multi_reduction <add>, %mul3A_81, %reduce_sum3A_82 [2] : vector<512x50x64xf32> to vector<512x50xf32>
      %add3A_84 = arith.addf %get3A_74, %reduce_sum3A_83 : vector<512x50xf32>
      %swap3A = arith.constant 0 : index
      %swap3A_85 = arith.constant 0 : index
      %swap3A_86 = vector.load %arg11[%swap3A, %swap3A_85] : memref<512x50xf32, #tpu.memory_space<vmem>>, vector<512x50xf32>
      tpu.vector_store %arg11[%swap3A, %swap3A_85], %add3A_84 {strides = array<i32>} : memref<512x50xf32, #tpu.memory_space<vmem>>, vector<512x50xf32>,
    } else {
    }
    return
  }
  func.func @transform_0(%arg0: i32, %arg1: i32) -> (i32, i32, i32) {
    %c0_i32 = arith.constant 0 : i32
    %c0_i32_0 = arith.constant 0 : i32
    return %arg1, %arg0, %c0_i32 : i32, i32, i32
  }
  func.func @transform_1(%arg0: i32, %arg1: i32) -> (i32, i32) {
    %c0_i32 = arith.constant 0 : i32
    %c0_i32_0 = arith.constant 0 : i32
    return %arg0, %c0_i32 : i32, i32
  }
  func.func @transform_2(%arg0: i32, %arg1: i32) -> (i32, i32, i32) {
    %c0_i32 = arith.constant 0 : i32
    %c0_i32_0 = arith.constant 0 : i32
    %c0_i32_1 = arith.constant 0 : i32
    return %arg0, %c0_i32, %c0_i32_0 : i32, i32, i32
  }
  func.func @transform_3(%arg0: i32, %arg1: i32) -> (i32, i32) {
    %c0_i32 = arith.constant 0 : i32
    %c0_i32_0 = arith.constant 0 : i32
    return %arg0, %c0_i32 : i32, i32
  }
  func.func @transform_4(%arg0: i32, %arg1: i32) -> (i32, i32) {
    %c0_i32 = arith.constant 0 : i32
    %c0_i32_0 = arith.constant 0 : i32
    %c0_i32_1 = arith.constant 0 : i32
    return %c0_i32, %c0_i32_0 : i32, i32
  }
  func.func @transform_5(%arg0: i32, %arg1: i32) -> (i32, i32) {
    %c0_i32 = arith.constant 0 : i32
    %c0_i32_0 = arith.constant 0 : i32
    %c0_i32_1 = arith.constant 0 : i32
    return %c0_i32, %c0_i32_0 : i32, i32
  }
  func.func @transform_6(%arg0: i32, %arg1: i32) -> (i32, i32) {
    %c0_i32 = arith.constant 0 : i32
    %c0_i32_0 = arith.constant 0 : i32
    %c0_i32_1 = arith.constant 0 : i32
    return %c0_i32, %c0_i32_0 : i32, i32
  }
  func.func @transform_7(%arg0: i32, %arg1: i32) -> (i32, i32) {
    %c0_i32 = arith.constant 0 : i32
    %c0_i32_0 = arith.constant 0 : i32
    %c0_i32_1 = arith.constant 0 : i32
    return %c0_i32, %c0_i32_0 : i32, i32
  }
  func.func @transform_8(%arg0: i32, %arg1: i32) -> (i32, i32, i32) {
    %c0_i32 = arith.constant 0 : i32
    %c0_i32_0 = arith.constant 0 : i32
    %c0_i32_1 = arith.constant 0 : i32
    return %arg1, %c0_i32, %c0_i32_0 : i32, i32, i32
  }
  func.func @transform_9(%arg0: i32, %arg1: i32) -> (i32, i32) {
    %c0_i32 = arith.constant 0 : i32
    %c0_i32_0 = arith.constant 0 : i32
    return %arg0, %c0_i32 : i32, i32
  }
}

</mosaic_0001>

<sc_bundles>
// kernel: kernel.5.cloned.1.call-start
scs
__scs_entry_jumppad:
0x0: {  	(pc) =	sbr.rel $0x88, $3  }
0x1: {  	(tag) =	ssettag $0x0;
	lr =	simm.s32 $0x1  }
0x2: {  	[smem:$0x3F94] =	sst lr;
	_ =	strace $0xD0000000  }
0x3: {  	_ = 	snop  }
0x4: {  	_ = 	snop  }
0x5: {  	_ = 	snop  }
0x6: {  	_ = 	snop  }
0x7: {  	_ = 	snop  }
__scs_overlays_trampoline_lowered:
0x8: {  	[smem:$0x3FA3] =	sst s0  }
0x9: {  	[smem:$0x3FA4] =	sst s1  }
0xa: {  	[smem:$0x3FA5] =	sst s2  }
0xb: {  	[smem:$0x3FA6] =	sst s3  }
0xc: {  	[smem:$0x3FA7] =	sst s4  }
0xd: {  	[smem:$0x3FA8] =	sst s5  }
0xe: {  	[smem:$0x3FA9] =	sst s6  }
0xf: {  	[smem:$0x3FAA] =	sst s7  }
0x10: {  	[smem:$0x3FAB] =	sst s8  }
0x11: {  	[smem:$0x3FAC] =	sst s9;
	s0 =	simm.s32 @!p0 $0x0  }
0x12: {  	s1 =	sld [smem:$0x3F92];
	s0 =	simm.s32 @p0 $0x1  }
0x13: {  	[smem:$0x3FAD] =	sst s0;
	s0 =	simm.s32 @!p1 $0x0  }
0x14: {  	s2 =	sld [smem:$0x3F91];
	s0 =	simm.s32 @p1 $0x1  }
0x15: {  	[smem:$0x3FAE] =	sst s0;
	s0 =	simm.s32 @!p2 $0x0  }
0x16: {  	s3 =	sld [smem:$0x3FDB];
	s0 =	simm.s32 @p2 $0x1  }
0x17: {  	s4 =	simm.s32 $0x1BF5;
	[smem:$0x3FB0] =	sst s0  }
0x18: {  	s0 =	sld [smem:$0x3F93];
	_ =	swait.ge [sflag:s4], $0x0  }
0x19: {  	s7 =	sld [smem:$0x3F94]  }
0x1a: {  	s8 =	sadd.s32 $0xFFFFE003, lr  }
0x1b: {  	s9 =	sadd.s32 $0xFFFFFEF7, lr;
	s5 =	simm.s32 $0xFFFFFFFF;
	p2 =	slt.u32 s8, $0xFFFFF086  }
0x1c: {  	p1 =	slt.u32 s9, $0xF7A;
	s5 =	simm.s32 @!p2 $0x0  }
0x1d: {  	s5 =	simm.s32 @p1 $0x1;
	p0 =	seq.s32 s7, s2  }
0x1e: {  	s7 =	smul.u32 @!p0 $0xF7A, s2;
	p2 =	seq.s32 @!p0 s5, $0x0  }
0x1f: {  	s9 =	smul.u32 $0xF7A, s1;
	s8 =	simm.s32 @!p0 $0x1BF5;
	p2 =	por !p2, p0  }
0x20: {  	[sflag:s8] =	ssyncset.s32 @!p0 $0xFFFFF086;
	s6 =	sadd.s32 @!p0 s3, s7;
	s7 =	simm.s32 @!p0 $0x108  }
0x21: {  	s3 =	sadd.s32 s3, s9;
	s6 =	sadd.s32 @!p0 $0x88, s6;
	s7 =	simm.s32 @p2 $0x1082  }
0x22: {  	[simem:s7], [sflag:s8] =	dma.local @!p0 [hbm:s6], $0xF7A  }
0x23: {  	s9 =	sor.u32 $0xD0000000, s2;
	s6 =	simm.s32 $0x108;
	_ =	swait.ge @!p0 [sflag:s8], $0x0  }
0x24: {  	s3 =	sadd.s32 $0x88, s3;
	s6 =	simm.s32 @!p1 $0x1082;
	[sflag:s4] =	ssyncset.s32 $0xFFFFF086  }
0x25: {  	[simem:s6], [sflag:s4] =	dma.local [hbm:s3], $0xF7A  }
0x26: {  	[smem:$0x3F94] =	sst s1;
	(tag) =	ssettag s2;
	_ =	strace s9  }
0x27: {  	s1 =	sld [smem:$0x3FA4]  }
0x28: {  	s2 =	sld [smem:$0x3FA5]  }
0x29: {  	s4 =	sld [smem:$0x3FA7]  }
0x2a: {  	p0 =	seq.s32 s5, $0x0;
	s5 =	sld [smem:$0x3FA8]  }
0x2b: {  	s6 =	sld [smem:$0x3FA9]  }
0x2c: {  	s7 =	sld [smem:$0x3FAA]  }
0x2d: {  	s3 =	simm.s32 $0x108;
	s8 =	sld [smem:$0x3FAB]  }
0x2e: {  	s3 =	simm.s32 @!p0 $0x1082;
	s9 =	sld [smem:$0x3FAC]  }
0x2f: {  	lr =	sadd.s32 s0, s3;
	s0 =	sld [smem:$0x3FA3]  }
0x30: {  	s3 =	sld [smem:$0x3FA6]  }
0x31: {  	[smem:$0x3FAF] =	sst s10  }
0x32: {  	s10 =	sld [smem:$0x3FAD];
	_ =	sdelay $0x3  }
0x33: {  	p0 =	seq.s32 s10, $0x1;
	s10 =	sld [smem:$0x3FAF];
	_ =	sdelay $0x3  }
0x34: {  	[smem:$0x3FAF] =	sst s10  }
0x35: {  	s10 =	sld [smem:$0x3FAE];
	_ =	sdelay $0x3  }
0x36: {  	p1 =	seq.s32 s10, $0x1;
	s10 =	sld [smem:$0x3FAF];
	_ =	sdelay $0x3  }
0x37: {  	[smem:$0x3FAF] =	sst s10  }
0x38: {  	s10 =	sld [smem:$0x3FB0]  }
0x39: {  	_ = 	snop;
	(pc) =	sbr.ind lr, $3  }
0x3a: {  	_ = 	snop  }
0x3b: {  	_ = 	snop  }
0x3c: {  	p2 =	seq.s32 s10, $0x1;
	s10 =	sld [smem:$0x3FAF]  }
0x3d: {  	_ =	shalt  }
0x3e: {  	_ =	shalt  }
0x3f: {  	_ =	shalt  }
0x40: {  	_ =	shalt  }
0x41: {  	_ =	shalt  }
0x42: {  	_ =	shalt  }
0x43: {  	_ =	shalt  }
0x44: {  	_ =	shalt  }
0x45: {  	_ =	shalt  }
0x46: {  	_ =	shalt  }
0x47: {  	_ =	shalt  }
0x48: {  	_ =	shalt  }
0x49: {  	_ =	shalt  }
0x4a: {  	_ =	shalt  }
0x4b: {  	_ =	shalt  }
0x4c: {  	_ =	shalt  }
0x4d: {  	_ =	shalt  }
0x4e: {  	_ =	shalt  }
0x4f: {  	_ =	shalt  }
0x50: {  	_ =	shalt  }
0x51: {  	_ =	shalt  }
0x52: {  	_ =	shalt  }
0x53: {  	_ =	shalt  }
0x54: {  	_ =	shalt  }
0x55: {  	_ =	shalt  }
0x56: {  	_ =	shalt  }
0x57: {  	_ =	shalt  }
0x58: {  	_ =	shalt  }
0x59: {  	_ =	shalt  }
0x5a: {  	_ =	shalt  }
0x5b: {  	_ =	shalt  }
0x5c: {  	_ =	shalt  }
0x5d: {  	_ =	shalt  }
0x5e: {  	_ =	shalt  }
0x5f: {  	_ =	shalt  }
0x60: {  	_ =	shalt  }
0x61: {  	_ =	shalt  }
0x62: {  	_ =	shalt  }
0x63: {  	_ =	shalt  }
0x64: {  	_ =	shalt  }
0x65: {  	_ =	shalt  }
0x66: {  	_ =	shalt  }
0x67: {  	_ =	shalt  }
0x68: {  	_ =	shalt  }
0x69: {  	_ =	shalt  }
0x6a: {  	_ =	shalt  }
0x6b: {  	_ =	shalt  }
0x6c: {  	_ =	shalt  }
0x6d: {  	_ =	shalt  }
0x6e: {  	_ =	shalt  }
0x6f: {  	_ =	shalt  }
0x70: {  	_ =	shalt  }
0x71: {  	_ =	shalt  }
0x72: {  	_ =	shalt  }
0x73: {  	_ =	shalt  }
0x74: {  	_ =	shalt  }
0x75: {  	_ =	shalt  }
0x76: {  	_ =	shalt  }
0x77: {  	_ =	shalt  }
0x78: {  	_ =	shalt  }
0x79: {  	_ =	shalt  }
0x7a: {  	_ =	shalt  }
0x7b: {  	_ =	shalt  }
0x7c: {  	_ =	shalt  }
0x7d: {  	_ =	shalt  }
0x7e: {  	_ =	shalt  }
0x7f: {  	_ =	shalt  }
0x80: {  	_ =	shalt  }
0x81: {  	_ =	shalt  }
0x82: {  	_ =	shalt  }
0x83: {  	_ =	shalt  }
0x84: {  	_ =	shalt  }
0x85: {  	_ =	shalt  }
0x86: {  	_ =	shalt  }
0x87: {  	_ =	shalt  }
.Lfunc_end0:
.L_simem_size_0:
called_computation_lowered:
.L_overlay_start_0:
0x88: {  	s2 =	sld [smem:$0x3FD9]  }
0x89: {  	s3 =	sld [smem:$0x3FFE];
	_ =	sdelay $0x1  }
0x8a: {  	s1 =	srdreg.scid  }
0x8b: {  	s0 =	sand.u32 $0x1, s1  }
0x8c: {  	s17 =	sshll.u32 s0, $0xA;
	s2 =	sadd.s32 s3, s2  }
0x8d: {  	s2 =	sadd.s32 s2, s17  }
0x8e: {  	[smem:$0x3FBB] =	sst s2  }
0x8f: {  	_ = 	snop  }
0x90: {  	s2 =	sld [smem:$0x3FC8]  }
0x91: {  	s18 =	sld [smem:$0x3FD0];
	(tm) =	ssettm $0x1  }
0x92: {  	s4 =	sld [smem:$0x3FFB];
	_ =	sdelay $0x3  }
0x93: {  	_ =	strace s4  }
0x94: {  	s4 =	sld [smem:$0x3FFC];
	_ =	sdelay $0x3  }
0x95: {  	_ =	strace s4  }
0x96: {  	s4 =	sld [smem:$0x3FFD];
	_ =	sdelay $0x3  }
0x97: {  	_ =	strace s4  }
0x98: {  	_ =	strace $0x8FFFFFFF  }
0x99: {  	s19 =	sld [smem:$0x3FDB];
	_ =	sdelay $0x1  }
0x9a: {  	s5 =	simm.s32 $_scs_section_size  }
0x9b: {  	s6 =	simm.s32 $_size__tile_overlayer_lowered;
	s7 =	simm.s32 $_tile_overlayer_lowered  }
0x9c: {  	s22 =	simm.s32 $0x1BFF;
	s21 =	sshll.u32 s7, $0x1;
	s4 =	sadd.s32 s5, s19  }
0x9d: {  	s8 =	simm.s32 $0x0;
	s20 =	sshll.u32 s6, $0x1;
	s6 =	sadd.s32 s21, s4  }
0x9e: {  	[timem:s8], [sflag:s22] =	dma.local [hbm:s6], s20  }
0x9f: {  	_ =	swait.ge [sflag:s22], s20  }
0xa0: {  	s5 =	ssub.s32 $0x0, s20;
	[sflag:s22] =	ssyncset.done $0x0  }
0xa1: {  	[sflag:s22] =	ssyncadd.s32 s5;
	_ =	sdelay $0x1  }
0xa2: {  	s23 =	simm.s32 $0x1B8B  }
0xa3: {  	_ =	swait.ge [sflag:s23], $0x1  }
0xa4: {  	[sflag:s23] =	ssyncset.done $0x0  }
0xa5: {  	s25 =	simm.s32 $0x1B8E;
	s24 =	sld [smem:$0x3FFE];
	[sflag:s23] =	ssyncadd.s32 $0xFFFFFFFF  }
0xa6: {  	s26 =	simm.s32 $execute0_lowered;
	[smem:$0x3FD2] =	sst s25  }
0xa7: {  	s6 =	sshll.u32 s26, $0x1;
	_ =	strace $0x80000046;
	[dreg:$0x1] =	wrdreg $0xFFFFFFFF  }
0xa8: {  	s28 =	simm.s32 $_size_execute0_lowered;
	s4 =	sadd.s32 s4, s6;
	[dreg:$0x0] =	wrdreg $0x0  }
0xa9: {  	s6 =	sshll.u32 s28, $0x1;
	[dreg:$0x2] =	wrdreg s4  }
0xaa: {  	[dreg:$0x3] =	wrdreg s6  }
0xab: {  	[dreg:$0x4] =	wrdreg $0xC0  }
0xac: {  	_ =	task [dreg:s8], $0x5FFFF  }
0xad: {  	[dreg:$0x1] =	wrdreg $0xFFFFFFFF  }
0xae: {  	[dreg:$0x0] =	wrdreg $0x60  }
0xaf: {  	[dreg:$0x2] =	wrdreg s24  }
0xb0: {  	[dreg:$0x3] =	wrdreg s18  }
0xb1: {  	[dreg:$0x4] =	wrdreg s2  }
0xb2: {  	[dreg:$0x5] =	wrdreg $0x9  }
0xb3: {  	_ =	task.clear_ibuf [dreg:s8], $0x6FFFF;
	_ =	strace $0x90000046  }
0xb4: {  	s29 =	simm.s32 $0x9;
	_ =	strace $0x80000058  }
0xb5: {  	_ =	swait.ge [sflag:s29], $0x1  }
0xb6: {  	[sflag:s29] =	ssyncadd.s32 $0xFFFFFFFF  }
0xb7: {  	_ =	strace $0x90000058  }
0xb8: {  	_ =	sfence  }
0xb9: {  	s30 =	sld [smem:$0x0];
	_ =	sdelay $0x2  }
0xba: {  	s31 =	sshll.u32 s1, $0xD;
	s1 =	sshrl.u32 s1, $0x2  }
0xbb: {  	s3 =	sand.u32 $0x4000, s31;
	s1 =	sadd.s32 s1, s30  }
0xbc: {  	s0 =	sor.u32 s3, s0;
	s1 =	sshll.u32 s1, $0x11  }
0xbd: {  	s0 =	sor.u32 s1, s0  }
0xbe: {  	s0 =	sadd.s32 $0x8F2B, s0  }
0xbf: {  	[sflag:s0] =	ssyncadd.remote.s32 $0x1  }
0xc0: {  	_ =	sfence.sel $0xFFFF  }
0xc1: {  	[dreg:$0x0] =	wrdreg $0xFFFFFFFF;
	(pc) =	sbr.abs _section_cstart, $3  }
0xc2: {  	[dreg:$0x1] =	wrdreg $0xFFFFFFFF  }
0xc3: {  	_ =	task.clear_ibuf [dreg:s8], $0x2FFFF;
	_ =	strace $0x9FFFFFFF  }
0xc4: {  	(tm) =	ssettm $0x7FFFFFFF  }
0xc5: {  	_ =	shalt  }
tec
execute0_lowered:
.L_overlay_start_1:
0x0: {  	(tag) =	ssettag $0x1  }
0x1: {  	s0 =	rddreg [dreg:$0x0]  }
0x2: {  	s1 =	rddreg [dreg:$0x1]  }
0x3: {  	s3 =	rddreg [dreg:$0x2];
	s2 =	simm.s32 $0x0  }
0x4: {  	s6 =	srdreg.scid;
	s10 =	stileid.u32;
	s16 =	simm.s32 $0x100  }
0x5: {  	s17 =	simm.s32 $0x80;
	s18 =	simm.s32 $0x9;
	s4 =	sadd.s32 $0x253A00, s0  }
0x6: {  	[smem:$0x7FF] =	sst s2;
	s5 =	sadd.s32 $0x190400, s0;
	s7 =	sadd.s32 $0x317000, s0  }
0x7: {  	s6 =	sand.u32 $0x1, s6;
	s8 =	sadd.s32 $0x56A600, s0;
	_ =	strace $0x80000047  }
0x8: {  	[dreg:$0x4] =	wrdreg s7;
	s9 =	sshll.u32 s6, $0x4;
	s6 =	ssub.s32 $0x2, s6  }
0x9: {  	s7 =	sadd.s32 $0x3600, s0;
	s11 =	sor.u32 s10, s9;
	s30 =	sshrl.u32 s6, $0x1  }
0xa: {  	s10 =	sshll.u32 s11, $0xA;
	s12 =	smul.u32 $0x320, s11;
	s6 =	ssub.s32 s6, s30  }
0xb: {  	s9 =	sadd.s32 $0x3DA600, s0;
	s0 =	sadd.s32 s10, s0;
	s31 =	smax.u32 s6, $0x1  }
0xc: {  	s10 =	smul.u32 $0x32, s11;
	s13 =	sadd.s32 s1, s12;
	[dreg:$0x9] =	wrdreg s31  }
0xd: {  	s11 =	sshll.u32 s11, $0x4;
	s12 =	sadd.s32 s7, s12;
	[dreg:$0x5] =	wrdreg s13  }
0xe: {  	s19 =	simm.s32 $0x1;
	s3 =	sadd.s32 s3, s11;
	[dreg:$0x6] =	wrdreg s12  }
0xf: {  	s20 =	simm.s32 $0x5;
	s0 =	sadd.s32 $0x9A00, s0;
	[dreg:$0x7] =	wrdreg s3  }
0x10: {  	s21 =	simm.s32 $0x3;
	s22 =	simm.s32 $0x0;
	[dreg:$0x8] =	wrdreg s0  }
.LBB2_1:
0x11: {  	_ =	strace $0x80000048;
	s24 =	simm.s32 $0x32  }
0x12: {  	s23 =	simm.s32 $0x0;
	s25 =	simm.s32 $0x0;
	s31 =	simm.s32 $0x0  }
0x13: {  	s28 =	simm.s32 $0x0;
	s29 =	simm.s32 $0x1;
	s0 =	rddreg [dreg:$0x5]  }
0x14: {  	[tilespmem:s2], [sflag:$0x1] =	stream.linear.gather [hbm4b:s0+s2], $0x80, $0x200038;
	[tilespmem:$0x8200] =	vst v63  }
0x15: {  	s30 =	simm.s32 $0x0;
	s3 =	simm.s32 $0x1;
	s26 =	rddreg [dreg:$0x6]  }
0x16: {  	[tilespmem:s16], [sflag:$0x3] =	stream.linear.gather [hbm4b:s26+s2], $0x80, $0x200038;
	[tilespmem:$0x8200] =	vst v63  }
0x17: {  	s0 =	simm.s32 $0x0;
	s26 =	simm.s32 $0x0;
	_ =	strace $0x90000048  }
.LBB2_2:
0x18: {  	s6 =	sadd.s32 $0x1, s0  }
0x19: {  	p0 =	seq.s32 s6, $0x32  }
0x1a: {  	s6 =	simm.s32 @p0 $0x0;
	p0 =	seq.s32 s24, $0x1  }
0x1b: {  	p1 =	seq.s32 @!p0 s0, s6  }
0x1c: {  	p2 =	por p1, p0  }
0x1d: {  	s11 =	sadd.s32 @!p2 s10, s6  }
0x1e: {  	s12 =	sand.u32 @!p2 $0x1, s3;
	s11 =	sshll.u32 @!p2 s11, $0x4  }
0x1f: {  	_ =	strace @!p2 $0x80000049;
	s15 =	simm.s32 @!p2 $0x0;
	s11 =	sand.u32 @!p2 $0x1FFFFFF0, s11  }
0x20: {  	s13 =	sshll.u32 @!p2 s12, $0x7;
	s12 =	sadd.s32 @!p2 $0x1, s12;
	s14 =	sadd.s32 @!p2 s1, s11  }
0x21: {  	[tilespmem:s13], [sflag:s12] =	stream.linear.gather @!p2 [hbm4b:s14+s15], $0x80, $0x200038;
	[tilespmem:$0x8200] =	vst v63  }
0x22: {  	s12 =	sand.u32 @!p2 $0x1, s29  }
0x23: {  	s11 =	sadd.s32 @!p2 s7, s11;
	_ =	strace @!p2 $0x90000049;
	s13 =	sshll.u32 @!p2 s12, $0x7  }
0x24: {  	s12 =	sadd.s32 @!p2 $0x3, s12;
	_ =	strace @!p2 $0x8000004A;
	s13 =	sor.u32 @!p2 $0x100, s13  }
0x25: {  	[tilespmem:s13], [sflag:s12] =	stream.linear.gather @!p2 [hbm4b:s11+s15], $0x80, $0x200038;
	[tilespmem:$0x8200] =	vst v63  }
0x26: {  	s12 =	sand.u32 $0x1, s30;
	_ =	strace @!p2 $0x9000004A  }
0x27: {  	s11 =	sadd.s32 $0x1, s12;
	_ =	strace $0x8000004B  }
0x28: {  	_ =	swait.ge [sflag:s11], $0x80  }
0x29: {  	[sflag:s11] =	ssyncset.done $0x0  }
0x2a: {  	[sflag:s11] =	ssyncadd.s32 $0xFFFFFF80  }
0x2b: {  	s13 =	sand.u32 $0x1, s28;
	_ =	strace $0x9000004B  }
0x2c: {  	s11 =	sadd.s32 $0x3, s13;
	_ =	strace $0x8000004C  }
0x2d: {  	_ =	swait.ge [sflag:s11], $0x80  }
0x2e: {  	[sflag:s11] =	ssyncset.done $0x0  }
0x2f: {  	p3 =	por p0, !p1;
	s12 =	sand.u32 $0x1, s26;
	[sflag:s11] =	ssyncadd.s32 $0xFFFFFF80  }
0x30: {  	s15 =	sshll.u32 s30, $0x7;
	s14 =	sshll.u32 s12, $0xD;
	_ =	strace $0x9000004C  }
0x31: {  	s15 =	sand.u32 $0x80, s15;
	s14 =	sor.u32 $0x200, s14;
	_ =	strace $0x8000004D  }
0x32: {  	[tilespmem:s14], [sflag:$0x9] =	stream.indirect.gather [hbm4b:s4+s17], $0x40, s15, s17, $0x2000b8;
	[tilespmem:$0x8200] =	vst v63  }
0x33: {  	s13 =	sand.u32 $0x1, s25;
	s11 =	sshll.u32 s28, $0x7;
	_ =	swait.ge [sflag:s18], $0x2000  }
0x34: {  	s11 =	sand.u32 $0x80, s11;
	s15 =	sshll.u32 s13, $0xD;
	[sflag:s18] =	ssyncset.done $0x0  }
0x35: {  	s11 =	sor.u32 $0x100, s11;
	s15 =	sor.u32 $0x4200, s15;
	[sflag:s18] =	ssyncadd.s32 $0xFFFFE000  }
0x36: {  	[tilespmem:s15], [sflag:$0x9] =	stream.indirect.gather [hbm4b:s5+s17], $0x40, s11, s17, $0x2000b8;
	[tilespmem:$0x8200] =	vst v63  }
0x37: {  	s0 =	sadd.s32 @p3 s10, s0;
	_ =	swait.ge [sflag:s18], $0x2000  }
0x38: {  	s0 =	sshll.u32 @p3 s0, $0xA;
	[sflag:s18] =	ssyncset.done $0x0  }
0x39: {  	p1 =	por !p1, p0;
	s0 =	sand.u32 @p3 $0x1FFFFC00, s0;
	[sflag:s18] =	ssyncadd.s32 $0xFFFFE000  }
0x3a: {  	s26 =	sadd.s32 @p3 $0x1, s26;
	s11 =	simm.s32 $0x0;
	_ =	strace $0x9000004D  }
0x3b: {  	s11 =	sadd.s32 @p3 $0x5, s12;
	s12 =	sadd.s32 @p3 s8, s0;
	_ =	strace @p3 $0x8000004E  }
0x3c: {  	[hbm4b:s12+s2] =	stream.linear.scatter @p3 [tilespmem:s14], [sflag:s11], $0x2000, $0x200038;
	[tilespmem:$0x8200] =	vst v63  }
0x3d: {  	s0 =	sadd.s32 @p3 s9, s0;
	s11 =	sadd.s32 @p3 $0x7, s13;
	_ =	strace @p3 $0x9000004E  }
0x3e: {  	s12 =	sadd.s32 @!p2 $0x1, s3;
	s14 =	smov.u32 s3;
	_ =	strace @p3 $0x8000004F  }
0x3f: {  	[hbm4b:s0+s2] =	stream.linear.scatter @p3 [tilespmem:s15], [sflag:s11], $0x2000, $0x200038;
	[tilespmem:$0x8200] =	vst v63  }
0x40: {  	s11 =	simm.s32 @p3 $0x1;
	_ =	strace @p3 $0x9000004F;
	p3 =	seq.s32 s24, $0x32  }
0x41: {  	s14 =	smov.u32 @p1 s12;
	s0 =	sand.u32 @!p3 $0x1, s31  }
0x42: {  	s14 =	smov.u32 @p0 s3;
	_ =	strace @!p3 $0x80000050;
	s0 =	sadd.s32 @!p3 $0x5, s0  }
0x43: {  	s3 =	smov.u32 s14;
	_ =	swait.ge @!p3 [sflag:s0], $0x2000  }
0x44: {  	s25 =	sadd.s32 s25, s11;
	s24 =	sadd.s32 $0xFFFFFFFF, s24;
	[sflag:s0] =	ssyncset.done @!p3 $0x0  }
0x45: {  	s30 =	sadd.s32 s30, s11;
	[sflag:s0] =	ssyncadd.s32 @!p3 $0xFFFFE000;
	s0 =	simm.s32 $0x0  }
0x46: {  	s13 =	sand.u32 @!p3 $0x1, s23;
	s12 =	sadd.s32 @!p3 $0x1, s31;
	s0 =	simm.s32 @p1 $0x1  }
0x47: {  	_ =	strace @!p3 $0x90000050;
	s0 =	simm.s32 @p0 $0x0;
	p0 =	sne.s32 s24, $0x0  }
.Ltmp0:
0x48: {  	s13 =	sadd.s32 @!p3 $0x7, s13;
	_ =	strace @!p3 $0x80000051;
	(pc) =	sbr.rel @p0 .LBB2_2-.Ltmp0, $4  }
0x49: {  	s28 =	sadd.s32 s28, s11;
	s12 =	smov.u32 @p3 s31;
	_ =	swait.ge @!p3 [sflag:s13], $0x2000  }
0x4a: {  	s29 =	sadd.s32 s29, s0;
	s0 =	simm.s32 @!p3 $0x1;
	[sflag:s13] =	ssyncset.done @!p3 $0x0  }
0x4b: {  	s31 =	smov.u32 s12;
	s0 =	simm.s32 @p3 $0x0;
	[sflag:s13] =	ssyncadd.s32 @!p3 $0xFFFFE000  }
0x4c: {  	s23 =	sadd.s32 s23, s0;
	s0 =	smov.u32 s6;
	_ =	strace @!p3 $0x90000051  }
0x4d: {  	s0 =	sand.u32 $0x1, s12  }
0x4e: {  	_ =	strace $0x80000052;
	s0 =	sadd.s32 $0x5, s0  }
0x4f: {  	_ =	swait.ge [sflag:s0], $0x2000  }
0x50: {  	s3 =	sand.u32 $0x1, s23;
	[sflag:s0] =	ssyncset.done $0x0  }
0x51: {  	s26 =	sadd.s32 $0x7, s3;
	[sflag:s0] =	ssyncadd.s32 $0xFFFFE000  }
0x52: {  	_ =	swait.ge [sflag:s26], $0x2000  }
0x53: {  	[sflag:s26] =	ssyncset.done $0x0  }
0x54: {  	[sflag:s26] =	ssyncadd.s32 $0xFFFFE000  }
0x55: {  	_ =	strace $0x90000052  }
0x56: {  	_ =	strace $0x80000053  }
0x57: {  	s28 =	rddreg [dreg:$0x7]  }
0x58: {  	[tilespmem:s2], [sflag:$0x1] =	stream.linear.gather [hbm4b:s28+s2], $0x80, $0x200038;
	[tilespmem:$0x8200] =	vst v63  }
0x59: {  	_ =	strace $0x90000053  }
0x5a: {  	_ =	strace $0x80000054  }
0x5b: {  	_ =	swait.ge [sflag:s19], $0x80  }
0x5c: {  	[sflag:s19] =	ssyncset.done $0x0  }
0x5d: {  	[sflag:s19] =	ssyncadd.s32 $0xFFFFFF80  }
0x5e: {  	_ =	strace $0x90000054  }
0x5f: {  	_ =	strace $0x80000055  }
0x60: {  	s29 =	rddreg [dreg:$0x4]  }
0x61: {  	[tilespmem:s16], [sflag:$0x5] =	stream.indirect.gather [hbm4b:s29+s17], $0x40, s2, s17, $0x2000b8;
	[tilespmem:$0x8200] =	vst v63  }
0x62: {  	_ =	swait.ge [sflag:s20], $0x2000  }
0x63: {  	[sflag:s20] =	ssyncset.done $0x0  }
0x64: {  	[sflag:s20] =	ssyncadd.s32 $0xFFFFE000  }
0x65: {  	_ =	strace $0x90000055  }
0x66: {  	_ =	strace $0x80000056  }
0x67: {  	s30 =	rddreg [dreg:$0x8]  }
0x68: {  	[hbm4b:s30+s2] =	stream.linear.scatter [tilespmem:s16], [sflag:$0x3], $0x2000, $0x200038;
	[tilespmem:$0x8200] =	vst v63  }
0x69: {  	_ =	strace $0x90000056  }
0x6a: {  	_ =	strace $0x80000057  }
0x6b: {  	_ =	swait.ge [sflag:s21], $0x2000  }
0x6c: {  	s22 =	sadd.s32 $0x1, s22;
	s31 =	rddreg [dreg:$0x9]  }
0x6d: {  	p0 =	sne.s32 s22, s31  }
.Ltmp1:
0x6e: {  	_ = 	snop;
	(pc) =	sbr.rel @p0 .LBB2_1-.Ltmp1, $4  }
0x6f: {  	_ = 	snop  }
0x70: {  	[sflag:s21] =	ssyncset.done $0x0  }
0x71: {  	[sflag:s21] =	ssyncadd.s32 $0xFFFFE000  }
0x72: {  	_ =	strace $0x90000057  }
0x73: {  	_ =	sfence.sel $0x180000  }
0x74: {  	[bflag:$0x0] =	sbarrier.arrive $0xFFFF  }
0x75: {  	_ =	strace $0x90000047  }
0x76: {  	s0 =	stileid.u32;
	[bflag:$0x2] =	sbarrier.arrive $0xFFFF  }
0x77: {  	p0 =	sne.s32 s0, $0x0;
	s0 =	rddreg [dreg:$0x3]  }
0x78: {  	s0 =	sadd.s32 @!p0 $0x100000, s0  }
0x79: {  	[sflag:s0] =	ssyncadd.tile.s32 @!p0 $0x1;
	_ =	shalt  }
.Lfunc_end2:
_tile_overlayer_lowered:
.L_overlay_start_2:
0x7a: {  	(tag) =	ssettag $0x2  }
0x7b: {  	s0 =	rddreg [dreg:$0x0];
	s2 =	stileid.u32  }
0x7c: {  	s1 =	rddreg [dreg:$0x1];
	p0 =	sne.s32 s2, $0x0  }
0x7d: {  	s3 =	rddreg [dreg:$0x2];
	[bflag:$0x3] =	sbarrier.arrive $0xFFFF;
	s2 =	simm.s32 @!p0 $0x1C01  }
0x7e: {  	[timem:s3], [sflag:s2] =	dma.local @!p0 [hbm:s0], s1  }
0x7f: {  	s0 =	simm.s32 @!p0 $0x1  }
0x80: {  	_ =	swait.ge @!p0 [sflag:s0], s1  }
0x81: {  	s1 =	ssub.s32 @!p0 $0x0, s1;
	[sflag:s0] =	ssyncset.done @!p0 $0x0  }
0x82: {  	[sflag:s0] =	ssyncadd.s32 @!p0 s1  }
0x83: {  	[bflag:$0x3] =	sbarrier.arrive $0xFFFF  }
0x84: {  	_ =	shalt  }

// kernel: kernel.8.cloned.1.call-start
scs
__scs_entry_jumppad:
0x0: {  	(pc) =	sbr.rel $0x88, $3  }
0x1: {  	(tag) =	ssettag $0x0;
	lr =	simm.s32 $0x1  }
0x2: {  	[smem:$0x3F94] =	sst lr;
	_ =	strace $0xD0000000  }
0x3: {  	_ = 	snop  }
0x4: {  	_ = 	snop  }
0x5: {  	_ = 	snop  }
0x6: {  	_ = 	snop  }
0x7: {  	_ = 	snop  }
__scs_overlays_trampoline_lowered:
0x8: {  	[smem:$0x3FA3] =	sst s0  }
0x9: {  	[smem:$0x3FA4] =	sst s1  }
0xa: {  	[smem:$0x3FA5] =	sst s2  }
0xb: {  	[smem:$0x3FA6] =	sst s3  }
0xc: {  	[smem:$0x3FA7] =	sst s4  }
0xd: {  	[smem:$0x3FA8] =	sst s5  }
0xe: {  	[smem:$0x3FA9] =	sst s6  }
0xf: {  	[smem:$0x3FAA] =	sst s7  }
0x10: {  	[smem:$0x3FAB] =	sst s8  }
0x11: {  	[smem:$0x3FAC] =	sst s9;
	s0 =	simm.s32 @!p0 $0x0  }
0x12: {  	s1 =	sld [smem:$0x3F92];
	s0 =	simm.s32 @p0 $0x1  }
0x13: {  	[smem:$0x3FAD] =	sst s0;
	s0 =	simm.s32 @!p1 $0x0  }
0x14: {  	s2 =	sld [smem:$0x3F91];
	s0 =	simm.s32 @p1 $0x1  }
0x15: {  	[smem:$0x3FAE] =	sst s0;
	s0 =	simm.s32 @!p2 $0x0  }
0x16: {  	s3 =	sld [smem:$0x3FDB];
	s0 =	simm.s32 @p2 $0x1  }
0x17: {  	s4 =	simm.s32 $0x1BF5;
	[smem:$0x3FB0] =	sst s0  }
0x18: {  	s0 =	sld [smem:$0x3F93];
	_ =	swait.ge [sflag:s4], $0x0  }
0x19: {  	s7 =	sld [smem:$0x3F94]  }
0x1a: {  	s8 =	sadd.s32 $0xFFFFE003, lr  }
0x1b: {  	s9 =	sadd.s32 $0xFFFFFEF7, lr;
	s5 =	simm.s32 $0xFFFFFFFF;
	p2 =	slt.u32 s8, $0xFFFFF086  }
0x1c: {  	p1 =	slt.u32 s9, $0xF7A;
	s5 =	simm.s32 @!p2 $0x0  }
0x1d: {  	s5 =	simm.s32 @p1 $0x1;
	p0 =	seq.s32 s7, s2  }
0x1e: {  	s7 =	smul.u32 @!p0 $0xF7A, s2;
	p2 =	seq.s32 @!p0 s5, $0x0  }
0x1f: {  	s9 =	smul.u32 $0xF7A, s1;
	s8 =	simm.s32 @!p0 $0x1BF5;
	p2 =	por !p2, p0  }
0x20: {  	[sflag:s8] =	ssyncset.s32 @!p0 $0xFFFFF086;
	s6 =	sadd.s32 @!p0 s3, s7;
	s7 =	simm.s32 @!p0 $0x108  }
0x21: {  	s3 =	sadd.s32 s3, s9;
	s6 =	sadd.s32 @!p0 $0x88, s6;
	s7 =	simm.s32 @p2 $0x1082  }
0x22: {  	[simem:s7], [sflag:s8] =	dma.local @!p0 [hbm:s6], $0xF7A  }
0x23: {  	s9 =	sor.u32 $0xD0000000, s2;
	s6 =	simm.s32 $0x108;
	_ =	swait.ge @!p0 [sflag:s8], $0x0  }
0x24: {  	s3 =	sadd.s32 $0x88, s3;
	s6 =	simm.s32 @!p1 $0x1082;
	[sflag:s4] =	ssyncset.s32 $0xFFFFF086  }
0x25: {  	[simem:s6], [sflag:s4] =	dma.local [hbm:s3], $0xF7A  }
0x26: {  	[smem:$0x3F94] =	sst s1;
	(tag) =	ssettag s2;
	_ =	strace s9  }
0x27: {  	s1 =	sld [smem:$0x3FA4]  }
0x28: {  	s2 =	sld [smem:$0x3FA5]  }
0x29: {  	s4 =	sld [smem:$0x3FA7]  }
0x2a: {  	p0 =	seq.s32 s5, $0x0;
	s5 =	sld [smem:$0x3FA8]  }
0x2b: {  	s6 =	sld [smem:$0x3FA9]  }
0x2c: {  	s7 =	sld [smem:$0x3FAA]  }
0x2d: {  	s3 =	simm.s32 $0x108;
	s8 =	sld [smem:$0x3FAB]  }
0x2e: {  	s3 =	simm.s32 @!p0 $0x1082;
	s9 =	sld [smem:$0x3FAC]  }
0x2f: {  	lr =	sadd.s32 s0, s3;
	s0 =	sld [smem:$0x3FA3]  }
0x30: {  	s3 =	sld [smem:$0x3FA6]  }
0x31: {  	[smem:$0x3FAF] =	sst s10  }
0x32: {  	s10 =	sld [smem:$0x3FAD];
	_ =	sdelay $0x3  }
0x33: {  	p0 =	seq.s32 s10, $0x1;
	s10 =	sld [smem:$0x3FAF];
	_ =	sdelay $0x3  }
0x34: {  	[smem:$0x3FAF] =	sst s10  }
0x35: {  	s10 =	sld [smem:$0x3FAE];
	_ =	sdelay $0x3  }
0x36: {  	p1 =	seq.s32 s10, $0x1;
	s10 =	sld [smem:$0x3FAF];
	_ =	sdelay $0x3  }
0x37: {  	[smem:$0x3FAF] =	sst s10  }
0x38: {  	s10 =	sld [smem:$0x3FB0]  }
0x39: {  	_ = 	snop;
	(pc) =	sbr.ind lr, $3  }
0x3a: {  	_ = 	snop  }
0x3b: {  	_ = 	snop  }
0x3c: {  	p2 =	seq.s32 s10, $0x1;
	s10 =	sld [smem:$0x3FAF]  }
0x3d: {  	_ =	shalt  }
0x3e: {  	_ =	shalt  }
0x3f: {  	_ =	shalt  }
0x40: {  	_ =	shalt  }
0x41: {  	_ =	shalt  }
0x42: {  	_ =	shalt  }
0x43: {  	_ =	shalt  }
0x44: {  	_ =	shalt  }
0x45: {  	_ =	shalt  }
0x46: {  	_ =	shalt  }
0x47: {  	_ =	shalt  }
0x48: {  	_ =	shalt  }
0x49: {  	_ =	shalt  }
0x4a: {  	_ =	shalt  }
0x4b: {  	_ =	shalt  }
0x4c: {  	_ =	shalt  }
0x4d: {  	_ =	shalt  }
0x4e: {  	_ =	shalt  }
0x4f: {  	_ =	shalt  }
0x50: {  	_ =	shalt  }
0x51: {  	_ =	shalt  }
0x52: {  	_ =	shalt  }
0x53: {  	_ =	shalt  }
0x54: {  	_ =	shalt  }
0x55: {  	_ =	shalt  }
0x56: {  	_ =	shalt  }
0x57: {  	_ =	shalt  }
0x58: {  	_ =	shalt  }
0x59: {  	_ =	shalt  }
0x5a: {  	_ =	shalt  }
0x5b: {  	_ =	shalt  }
0x5c: {  	_ =	shalt  }
0x5d: {  	_ =	shalt  }
0x5e: {  	_ =	shalt  }
0x5f: {  	_ =	shalt  }
0x60: {  	_ =	shalt  }
0x61: {  	_ =	shalt  }
0x62: {  	_ =	shalt  }
0x63: {  	_ =	shalt  }
0x64: {  	_ =	shalt  }
0x65: {  	_ =	shalt  }
0x66: {  	_ =	shalt  }
0x67: {  	_ =	shalt  }
0x68: {  	_ =	shalt  }
0x69: {  	_ =	shalt  }
0x6a: {  	_ =	shalt  }
0x6b: {  	_ =	shalt  }
0x6c: {  	_ =	shalt  }
0x6d: {  	_ =	shalt  }
0x6e: {  	_ =	shalt  }
0x6f: {  	_ =	shalt  }
0x70: {  	_ =	shalt  }
0x71: {  	_ =	shalt  }
0x72: {  	_ =	shalt  }
0x73: {  	_ =	shalt  }
0x74: {  	_ =	shalt  }
0x75: {  	_ =	shalt  }
0x76: {  	_ =	shalt  }
0x77: {  	_ =	shalt  }
0x78: {  	_ =	shalt  }
0x79: {  	_ =	shalt  }
0x7a: {  	_ =	shalt  }
0x7b: {  	_ =	shalt  }
0x7c: {  	_ =	shalt  }
0x7d: {  	_ =	shalt  }
0x7e: {  	_ =	shalt  }
0x7f: {  	_ =	shalt  }
0x80: {  	_ =	shalt  }
0x81: {  	_ =	shalt  }
0x82: {  	_ =	shalt  }
0x83: {  	_ =	shalt  }
0x84: {  	_ =	shalt  }
0x85: {  	_ =	shalt  }
0x86: {  	_ =	shalt  }
0x87: {  	_ =	shalt  }
.Lfunc_end0:
.L_simem_size_0:
called_computation.1_lowered:
.L_overlay_start_0:
0x88: {  	s2 =	sld [smem:$0x3FD9]  }
0x89: {  	s3 =	sld [smem:$0x3FFE];
	_ =	sdelay $0x1  }
0x8a: {  	s1 =	srdreg.scid  }
0x8b: {  	s0 =	sand.u32 $0x1, s1  }
0x8c: {  	s17 =	sshll.u32 s0, $0xA;
	s2 =	sadd.s32 s3, s2  }
0x8d: {  	s2 =	sadd.s32 s2, s17  }
0x8e: {  	[smem:$0x3FBB] =	sst s2  }
0x8f: {  	_ = 	snop  }
0x90: {  	(tm) =	ssettm $0x1  }
0x91: {  	s18 =	sld [smem:$0x3FFB];
	_ =	sdelay $0x3  }
0x92: {  	_ =	strace s18  }
0x93: {  	s2 =	sld [smem:$0x3FFC];
	_ =	sdelay $0x3  }
0x94: {  	_ =	strace s2  }
0x95: {  	s2 =	sld [smem:$0x3FFD];
	_ =	sdelay $0x3  }
0x96: {  	_ =	strace s2  }
0x97: {  	_ =	strace $0x8FFFFFFF  }
0x98: {  	s19 =	sld [smem:$0x3FDB];
	_ =	sdelay $0x1  }
0x99: {  	s20 =	simm.s32 $_scs_section_size  }
0x9a: {  	s4 =	simm.s32 $_size__tile_overlayer_lowered;
	s5 =	simm.s32 $_tile_overlayer_lowered  }
0x9b: {  	s6 =	simm.s32 $0x1BFF;
	s21 =	sshll.u32 s5, $0x1;
	s3 =	sadd.s32 s20, s19  }
0x9c: {  	s22 =	simm.s32 $0x0;
	s4 =	sshll.u32 s4, $0x1;
	s5 =	sadd.s32 s21, s3  }
0x9d: {  	[timem:s22], [sflag:s6] =	dma.local [hbm:s5], s4  }
0x9e: {  	_ =	swait.ge [sflag:s6], s4  }
0x9f: {  	s4 =	ssub.s32 $0x0, s4;
	[sflag:s6] =	ssyncset.done $0x0  }
0xa0: {  	[sflag:s6] =	ssyncadd.s32 s4;
	_ =	sdelay $0x1  }
0xa1: {  	s23 =	simm.s32 $0x1B8B  }
0xa2: {  	_ =	swait.ge [sflag:s23], $0x1  }
0xa3: {  	[sflag:s23] =	ssyncset.done $0x0  }
0xa4: {  	[sflag:s23] =	ssyncadd.s32 $0xFFFFFFFF  }
0xa5: {  	s4 =	sld [smem:$0x0]  }
0xa6: {  	s5 =	sand.u32 $0xFFFFFFFE, s1  }
0xa7: {  	p0 =	sne.s32 s1, s5  }
0xa8: {  	s5 =	sshll.u32 @p0 s5, $0xE  }
0xa9: {  	s5 =	sadd.s32 @p0 $0x11B8D, s5;
	s6 =	sshll.u32 @p0 s4, $0x11  }
0xaa: {  	s5 =	sor.u32 @p0 s6, s5  }
0xab: {  	[sflag:s5] =	ssyncadd.remote.s32 @p0 $0x1;
	_ =	sdelay $0x1  }
0xac: {  	s5 =	simm.s32 @p0 $0x1B8D  }
0xad: {  	_ =	swait.eq @p0 [sflag:s5], $0x1  }
0xae: {  	[sflag:s5] =	ssyncadd.s32 @p0 $0xFFFFFFFF  }
0xaf: {  	s6 =	sshll.u32 @!p0 s1, $0xE  }
0xb0: {  	s6 =	sor.u32 @!p0 $0x4000, s6;
	s5 =	simm.s32 @!p0 $0x1B8D  }
0xb1: {  	s4 =	sshll.u32 @!p0 s4, $0x11;
	s6 =	sadd.s32 @!p0 $0x11B8D, s6;
	_ =	swait.eq @!p0 [sflag:s5], $0x1  }
0xb2: {  	s4 =	sor.u32 @!p0 s4, s6;
	[sflag:s5] =	ssyncadd.s32 @!p0 $0xFFFFFFFF  }
0xb3: {  	s25 =	simm.s32 $0x1B8E;
	s24 =	sld [smem:$0x3FFE];
	[sflag:s4] =	ssyncadd.remote.s32 @!p0 $0x1  }
0xb4: {  	s26 =	simm.s32 $execute0_lowered;
	[smem:$0x3FD2] =	sst s25  }
0xb5: {  	s5 =	sshll.u32 s26, $0x1;
	_ =	strace $0x80000059;
	[dreg:$0x1] =	wrdreg $0xFFFFFFFF  }
0xb6: {  	s28 =	simm.s32 $_size_execute0_lowered;
	s3 =	sadd.s32 s3, s5;
	[dreg:$0x0] =	wrdreg $0x0  }
0xb7: {  	s5 =	sshll.u32 s28, $0x1;
	[dreg:$0x2] =	wrdreg s3  }
0xb8: {  	[dreg:$0x3] =	wrdreg s5  }
0xb9: {  	[dreg:$0x4] =	wrdreg $0xC0  }
0xba: {  	_ =	task [dreg:s22], $0x5FFFF  }
0xbb: {  	[dreg:$0x1] =	wrdreg $0xFFFFFFFF  }
0xbc: {  	[dreg:$0x0] =	wrdreg $0x60  }
0xbd: {  	[dreg:$0x2] =	wrdreg s24  }
0xbe: {  	[dreg:$0x3] =	wrdreg $0xA  }
0xbf: {  	_ =	task.clear_ibuf [dreg:s22], $0x4FFFF;
	_ =	strace $0x90000059  }
0xc0: {  	s29 =	simm.s32 $0xA;
	_ =	strace $0x8000005B  }
0xc1: {  	_ =	swait.ge [sflag:s29], $0x1  }
0xc2: {  	[sflag:s29] =	ssyncadd.s32 $0xFFFFFFFF  }
0xc3: {  	_ =	strace $0x9000005B  }
0xc4: {  	_ =	sfence  }
0xc5: {  	s30 =	sld [smem:$0x0];
	_ =	sdelay $0x2  }
0xc6: {  	s31 =	sshll.u32 s1, $0xD;
	s1 =	sshrl.u32 s1, $0x2  }
0xc7: {  	s4 =	sand.u32 $0x4000, s31;
	s1 =	sadd.s32 s1, s30  }
0xc8: {  	s0 =	sor.u32 s4, s0;
	s1 =	sshll.u32 s1, $0x11  }
0xc9: {  	s0 =	sor.u32 s1, s0  }
0xca: {  	s0 =	sadd.s32 $0x8F2B, s0  }
0xcb: {  	[sflag:s0] =	ssyncadd.remote.s32 $0x1  }
0xcc: {  	_ =	sfence.sel $0xFFFF  }
0xcd: {  	[dreg:$0x0] =	wrdreg $0xFFFFFFFF;
	(pc) =	sbr.abs _section_cstart, $3  }
0xce: {  	[dreg:$0x1] =	wrdreg $0xFFFFFFFF  }
0xcf: {  	_ =	task.clear_ibuf [dreg:s22], $0x2FFFF;
	_ =	strace $0x9FFFFFFF  }
0xd0: {  	(tm) =	ssettm $0x7FFFFFFF  }
0xd1: {  	_ =	shalt  }
tec
execute0_lowered:
.L_overlay_start_1:
0x0: {  	(tag) =	ssettag $0x1  }
0x1: {  	s1 =	srdreg.scid;
	s0 =	stileid.u32  }
0x2: {  	s4 =	rddreg [dreg:$0x0];
	s2 =	simm.s32 $0x0;
	s8 =	simm.s32 $0x186A0  }
0x3: {  	s9 =	simm.s32 $0x19FA0;
	s3 =	sand.u32 $0x1, s1;
	s31 =	sshll.u32 s0, $0x1  }
0x4: {  	s10 =	simm.s32 $0x0;
	s1 =	rddreg [dreg:$0x1];
	s5 =	sor.u32 s3, s31  }
0x5: {  	[smem:$0x7FF] =	sst s2;
	s6 =	ssub.s32 $0x2, s3;
	s5 =	smul.u32 $0x320, s5  }
0x6: {  	_ =	strace $0x8000005A;
	s3 =	sadd.s32 $0x11A00, s4;
	s7 =	sshrl.u32 s6, $0x1  }
0x7: {  	s6 =	ssub.s32 s6, s7;
	s7 =	simm.s32 $0x1;
	s5 =	sadd.s32 s5, s4  }
0x8: {  	s6 =	smax.u32 s6, $0x1;
	s4 =	sadd.s32 $0x3600, s5;
	s5 =	sadd.s32 $0x14C00, s5  }
.LBB2_1:
0x9: {  	[tilespmem:s2], [sflag:$0x1] =	stream.linear.gather [hbm4b:s3+s2], $0x186A0, $0x38;
	[tilespmem:$0x1B8A0] =	vst v63  }
0xa: {  	_ =	swait.ge [sflag:s7], $0x186A0  }
0xb: {  	[sflag:s7] =	ssyncset.done $0x0  }
0xc: {  	[sflag:s7] =	ssyncadd.s32 $0xFFFE7960  }
0xd: {  	[tilespmem:s8], [sflag:$0x1] =	stream.linear.gather [hbm4b:s4+s2], $0x1900, $0x38;
	[tilespmem:$0x1B8A0] =	vst v63  }
0xe: {  	_ =	swait.ge [sflag:s7], $0x1900  }
0xf: {  	[sflag:s7] =	ssyncset.done $0x0  }
0x10: {  	s11 =	simm.s32 $0x0;
	[sflag:s7] =	ssyncadd.s32 $0xFFFFE700  }
0x11: {  	v0 =	vld [tilespmem:s11+$0x186A0];
	_ =	sdelay $0x7  }
0x12: {  	s12 =	simm.s32 $0x10;
	s13 =	simm.s32 $0x80;
	v0 =	vld.idx.msk [tilespmem:v0+s2+$0x0], $0xffff  }
.LBB2_2:
0x13: {  	p0 =	sne.s32 s13, $0x63C0;
	v1 =	vld [tilespmem:s12+$0x186A0];
	_ =	sdelay $0x3  }
.Ltmp0:
0x14: {  	(pc) =	sbr.rel @p0 .LBB2_2-.Ltmp0, $2  }
0x15: {  	[tilespmem:s11+$0x19FA0] =	vst v0;
	s11 =	smov.u32 s12;
	_ =	sdelay $0x2  }
0x16: {  	s12 =	sshra.s32 s13, $0x2;
	s13 =	sadd.s32 $0x40, s13;
	v0 =	vld.idx.msk [tilespmem:v1+s2+$0x0], $0xffff  }
0x17: {  	v1 =	vld [tilespmem:s12+$0x186A0];
	_ =	sdelay $0x6  }
0x18: {  	[tilespmem:s11+$0x19FA0] =	vst v0  }
0x19: {  	v0 =	vld.idx.msk [tilespmem:v1+s2+$0x0], $0xffff;
	_ =	sdelay $0x2  }
0x1a: {  	s10 =	sadd.s32 $0x1, s10  }
0x1b: {  	p0 =	sne.s32 s10, s6  }
.Ltmp1:
0x1c: {  	[tilespmem:s12+$0x19FA0] =	vst v0;
	(pc) =	sbr.rel @p0 .LBB2_1-.Ltmp1, $4  }
0x1d: {  	[hbm4b:s5+s2] =	stream.linear.scatter [tilespmem:s9], [sflag:$0x1], $0x1900, $0x38;
	[tilespmem:$0x1B8A0] =	vst v63  }
0x1e: {  	_ =	swait.ge [sflag:s7], $0x1900  }
0x1f: {  	[sflag:s7] =	ssyncset.done $0x0  }
0x20: {  	[sflag:s7] =	ssyncadd.s32 $0xFFFFE700  }
0x21: {  	_ =	sfence.sel $0x180000  }
0x22: {  	[bflag:$0x0] =	sbarrier.arrive $0xFFFF  }
0x23: {  	p0 =	sne.s32 s0, $0x0;
	_ =	strace $0x9000005A  }
0x24: {  	s0 =	sadd.s32 @!p0 $0x100000, s1;
	[bflag:$0x2] =	sbarrier.arrive $0xFFFF  }
0x25: {  	[sflag:s0] =	ssyncadd.tile.s32 @!p0 $0x1;
	_ =	shalt  }
.Lfunc_end2:
_tile_overlayer_lowered:
.L_overlay_start_2:
0x26: {  	(tag) =	ssettag $0x2  }
0x27: {  	s0 =	rddreg [dreg:$0x0];
	s2 =	stileid.u32  }
0x28: {  	s1 =	rddreg [dreg:$0x1];
	p0 =	sne.s32 s2, $0x0  }
0x29: {  	s3 =	rddreg [dreg:$0x2];
	[bflag:$0x3] =	sbarrier.arrive $0xFFFF;
	s2 =	simm.s32 @!p0 $0x1C01  }
0x2a: {  	[timem:s3], [sflag:s2] =	dma.local @!p0 [hbm:s0], s1  }
0x2b: {  	s0 =	simm.s32 @!p0 $0x1  }
0x2c: {  	_ =	swait.ge @!p0 [sflag:s0], s1  }
0x2d: {  	s1 =	ssub.s32 @!p0 $0x0, s1;
	[sflag:s0] =	ssyncset.done @!p0 $0x0  }
0x2e: {  	[sflag:s0] =	ssyncadd.s32 @!p0 s1  }
0x2f: {  	[bflag:$0x3] =	sbarrier.arrive $0xFFFF  }
0x30: {  	_ =	shalt  }

</sc_bundles>
